<compile_context>
chip_gen: v7x
topology: tpu7x:2x2x1
jax: 0.10.2.dev20260603
libtpu: 0.0.44.dev20260713+nightly
codegen_flags: <defaults>
</compile_context>

<pallas_src>
import functools
import jax
import jax.numpy as jnp
from jax import lax
from jax.experimental import pallas as pl
from jax.experimental.pallas import tpu as pltpu, tpu_sc as plsc

N = 10000
E = 320000
G = 32
HID = 128
CHUNK = 10000
NSTEP = CHUNK // 16
NCHUNK = E // CHUNK



def _tc1_body(x, nt, ns, W_x2h, b_x2h, W_nt, b_nt, W_ns, b_ns,
              Wh_a, Wh_b, Wh_c, b_h2h, W_gat, att_s, att_d,
              xt_o, as_o, ad_o):
    f32 = jnp.float32
    h1 = jnp.dot(x[...], W_x2h[...], preferred_element_type=f32) + b_x2h[...]
    ntE = jnp.dot(nt[...], W_nt[...], preferred_element_type=f32) + b_nt[...]
    nsE = ns[...] * W_ns[...] + b_ns[...]
    h = (jnp.dot(h1, Wh_a[...], preferred_element_type=f32)
         + jnp.dot(ntE, Wh_b[...], preferred_element_type=f32)
         + jnp.dot(nsE, Wh_c[...], preferred_element_type=f32)
         + b_h2h[...])
    h = jnp.maximum(h, 0.0)
    xt = jnp.dot(h, W_gat[...], preferred_element_type=f32)
    xt_o[...] = xt
    as_o[...] = jnp.sum(xt * att_s[...], axis=1, keepdims=True)
    ad_o[...] = jnp.sum(xt * att_d[...], axis=1, keepdims=True)


def _tc1(x, node_types, node_scores, W_x2h, b_x2h, W_nt, b_nt, W_ns, b_ns,
         W_h2h, b_h2h, W_gat, att_src, att_dst):
    BN = 400
    grid = (N // BN,)
    row = lambda i: (i, 0)
    zero = lambda i: (0, 0)
    in_specs = [
        pl.BlockSpec((BN, 128), row),
        pl.BlockSpec((BN, 4), row),
        pl.BlockSpec((BN, 1), row),
        pl.BlockSpec((128, HID), zero),
        pl.BlockSpec((1, HID), zero),
        pl.BlockSpec((4, HID // 2), zero),
        pl.BlockSpec((1, HID // 2), zero),
        pl.BlockSpec((1, HID // 2), zero),
        pl.BlockSpec((1, HID // 2), zero),
        pl.BlockSpec((HID, HID), zero),
        pl.BlockSpec((HID // 2, HID), zero),
        pl.BlockSpec((HID // 2, HID), zero),
        pl.BlockSpec((1, HID), zero),
        pl.BlockSpec((HID, HID), zero),
        pl.BlockSpec((1, HID), zero),
        pl.BlockSpec((1, HID), zero),
    ]
    out_specs = [
        pl.BlockSpec((BN, HID), row),
        pl.BlockSpec((BN, 1), row),
        pl.BlockSpec((BN, 1), row),
    ]
    out_shape = [
        jax.ShapeDtypeStruct((N, HID), jnp.float32),
        jax.ShapeDtypeStruct((N, 1), jnp.float32),
        jax.ShapeDtypeStruct((N, 1), jnp.float32),
    ]
    return pl.pallas_call(
        _tc1_body, grid=grid, in_specs=in_specs, out_specs=out_specs,
        out_shape=out_shape,
    )(x, node_types, node_scores,
      W_x2h, b_x2h.reshape(1, -1), W_nt, b_nt.reshape(1, -1),
      W_ns, b_ns.reshape(1, -1),
      W_h2h[:HID], W_h2h[HID:HID + HID // 2], W_h2h[HID + HID // 2:],
      b_h2h.reshape(1, -1), W_gat,
      att_src.reshape(1, -1), att_dst.reshape(1, -1))



def _tc2_body(ea, W_e1, b_e1, W_e2, b_e2, W_gat_e, att_e, ae_o):
    f32 = jnp.float32
    h1 = jnp.maximum(jnp.dot(ea[...], W_e1[...], preferred_element_type=f32)
                     + b_e1[...], 0.0)
    h2 = jnp.maximum(jnp.dot(h1, W_e2[...], preferred_element_type=f32)
                     + b_e2[...], 0.0)
    v = jnp.dot(W_gat_e[...], att_e[...].reshape(HID, 1),
                preferred_element_type=f32)
    ae_o[...] = jnp.dot(h2, v, preferred_element_type=f32)


def _tc2(edge_attr, W_e1, b_e1, W_e2, b_e2, W_gat_e, att_edge):
    BE = 3200
    grid = (E // BE,)
    row = lambda i: (i, 0)
    zero = lambda i: (0, 0)
    in_specs = [
        pl.BlockSpec((BE, 46), row),
        pl.BlockSpec((46, HID), zero),
        pl.BlockSpec((1, HID), zero),
        pl.BlockSpec((HID, HID), zero),
        pl.BlockSpec((1, HID), zero),
        pl.BlockSpec((HID, HID), zero),
        pl.BlockSpec((1, HID), zero),
    ]
    return pl.pallas_call(
        _tc2_body, grid=grid, in_specs=in_specs,
        out_specs=pl.BlockSpec((BE, 1), row),
        out_shape=jax.ShapeDtypeStruct((E, 1), jnp.float32),
    )(edge_attr, W_e1, b_e1.reshape(1, -1), W_e2, b_e2.reshape(1, -1),
      W_gat_e, att_edge.reshape(1, -1))



def _edge_vals(src_v, dst_v, ae_v, as_v, ad_v, j):
    s16 = src_v[pl.ds(j * 16, 16)]
    d16 = dst_v[pl.ds(j * 16, 16)]
    ae16 = ae_v[pl.ds(j * 16, 16)]
    a = plsc.load_gather(as_v, [s16]) + plsc.load_gather(ad_v, [d16]) + ae16
    a = jnp.maximum(a, 0.2 * a)
    return s16, d16, jnp.exp(a)


NCHPW = NCHUNK // 32


def _scA_body(src_h, dst_h, ae_h, as_h, ad_h, dp_out, ex_out,
              as_v, ad_v, den_v, src_v, dst_v, ae_v, ex_v):
    wid = lax.axis_index("s") * 2 + lax.axis_index("c")

    pltpu.sync_copy(as_h, as_v)
    pltpu.sync_copy(ad_h, ad_v)

    def zero_body(i, carry):
        den_v[pl.ds(i * 16, 16)] = jnp.zeros((16,), jnp.float32)
        return carry
    lax.fori_loop(0, N // 16, zero_body, 0)

    def chunk(k, carry):
        ci = wid * NCHPW + k
        pltpu.sync_copy(src_h.at[pl.ds(ci * CHUNK, CHUNK)], src_v)
        pltpu.sync_copy(dst_h.at[pl.ds(ci * CHUNK, CHUNK)], dst_v)
        pltpu.sync_copy(ae_h.at[pl.ds(ci * CHUNK, CHUNK)], ae_v)

        def step(j, c2):
            _, d16, ex = _edge_vals(src_v, dst_v, ae_v, as_v, ad_v, j)
            plsc.addupdate_scatter(den_v, [d16], ex)
            ex_v[pl.ds(j * 16, 16)] = ex
            return c2
        r = lax.fori_loop(0, NSTEP, step, carry)
        pltpu.sync_copy(ex_v, ex_out.at[pl.ds(ci * CHUNK, CHUNK)])
        return r
    lax.fori_loop(0, NCHPW, chunk, 0)

    pltpu.sync_copy(den_v, dp_out.at[wid])


def _scB_body(src_h, dst_h, ex_h, n2g_h, rden_h, c_out,
              n2g_v, rden_v, c_v, src_v, dst_v, ex_v):
    wid = lax.axis_index("s") * 2 + lax.axis_index("c")

    pltpu.sync_copy(n2g_h, n2g_v)
    pltpu.sync_copy(rden_h, rden_v)

    def zero_body(i, carry):
        c_v[pl.ds(i * 16, 16)] = jnp.zeros((16,), jnp.float32)
        return carry
    lax.fori_loop(0, N // 16, zero_body, 0)

    def chunk(ci, carry):
        pltpu.sync_copy(src_h.at[pl.ds(ci * CHUNK, CHUNK)], src_v)
        pltpu.sync_copy(dst_h.at[pl.ds(ci * CHUNK, CHUNK)], dst_v)
        pltpu.sync_copy(ex_h.at[pl.ds(ci * CHUNK, CHUNK)], ex_v)

        def step(j, c2):
            s16 = src_v[pl.ds(j * 16, 16)]
            d16 = dst_v[pl.ds(j * 16, 16)]
            ex16 = ex_v[pl.ds(j * 16, 16)]
            m = plsc.load_gather(n2g_v, [d16]) == wid
            w = ex16 * plsc.load_gather(rden_v, [d16])
            plsc.addupdate_scatter(c_v, [s16], w, mask=m)
            return c2
        return lax.fori_loop(0, NSTEP, step, carry)
    lax.fori_loop(0, NCHUNK, chunk, 0)

    pltpu.sync_copy(c_v, c_out.at[wid])


def _dreduce_body(dp, rden_o):
    rden_o[...] = 1.0 / (jnp.sum(dp[...], axis=0, keepdims=True) + 1e-16)


def _sc(src, dst, a_edge, a_src, a_dst, n2g):
    mesh = plsc.VectorSubcoreMesh(core_axis_name="c", subcore_axis_name="s")
    cp = pltpu.CompilerParams(needs_layout_passes=False)
    edge_bufs = [
        pltpu.VMEM((CHUNK,), jnp.int32),
        pltpu.VMEM((CHUNK,), jnp.int32),
        pltpu.VMEM((CHUNK,), jnp.float32),
    ]
    dparts, ex = functools.partial(
        pl.kernel, mesh=mesh, compiler_params=cp,
        out_type=[
            jax.ShapeDtypeStruct((32, N), jnp.float32),
            jax.ShapeDtypeStruct((E,), jnp.float32),
        ],
        scratch_types=[
            pltpu.VMEM((N,), jnp.float32),
            pltpu.VMEM((N,), jnp.float32),
            pltpu.VMEM((N,), jnp.float32),
        ] + edge_bufs + [pltpu.VMEM((CHUNK,), jnp.float32)],
    )(_scA_body)(src, dst, a_edge, a_src, a_dst)

    rden = pl.pallas_call(
        _dreduce_body,
        out_shape=jax.ShapeDtypeStruct((1, N), jnp.float32),
    )(dparts).reshape(N)

    return functools.partial(
        pl.kernel, mesh=mesh, compiler_params=cp,
        out_type=jax.ShapeDtypeStruct((G, N), jnp.float32),
        scratch_types=[
            pltpu.VMEM((N,), jnp.int32),
            pltpu.VMEM((N,), jnp.float32),
            pltpu.VMEM((N,), jnp.float32),
        ] + edge_bufs[:2] + [pltpu.VMEM((CHUNK,), jnp.float32)],
    )(_scB_body)(src, dst, ex, n2g, rden)



def _tc3_body(c, xt, n2g, b_gat, W_m1, b_m1, W_m2, b_m2, out_o):
    f32 = jnp.float32
    gs = jnp.dot(c[...], xt[...], preferred_element_type=f32)
    gidx = lax.broadcasted_iota(jnp.int32, (N, G), 1)
    oh = (n2g[...] == gidx).astype(f32)
    counts = jnp.sum(oh, axis=0).reshape(G, 1)
    gm = (gs + counts * b_gat[...]) / jnp.maximum(counts, 1.0)
    gm = jnp.maximum(gm, 0.0)
    g1 = jnp.maximum(jnp.dot(gm, W_m1[...], preferred_element_type=f32)
                     + b_m1[...], 0.0)
    out_o[...] = jnp.dot(g1, W_m2[...], preferred_element_type=f32) + b_m2[...]


def _tc3(c, xt, n2g, b_gat, W_m1, b_m1, W_m2, b_m2):
    return pl.pallas_call(
        _tc3_body,
        out_shape=jax.ShapeDtypeStruct((G, 1), jnp.float32),
    )(c, xt, n2g.reshape(N, 1), b_gat.reshape(1, -1),
      W_m1, b_m1.reshape(1, -1), W_m2, b_m2.reshape(1, -1))



def kernel(x, node_ids, node_types, node_scores, edge_index, edge_type,
           edge_attr, node2graph, W_x2h, b_x2h, W_nt, b_nt, W_ns, b_ns,
           W_h2h, b_h2h, W_e1, b_e1, W_e2, b_e2, W_gat, W_gat_e,
           att_src, att_dst, att_edge, b_gat, W_m1, b_m1, W_m2, b_m2):
    src = edge_index[0].astype(jnp.int32)
    dst = edge_index[1].astype(jnp.int32)
    n2g = node2graph.astype(jnp.int32)

    xt, a_s, a_d = _tc1(x, node_types, node_scores, W_x2h, b_x2h, W_nt, b_nt,
                        W_ns, b_ns, W_h2h, b_h2h, W_gat, att_src, att_dst)
    a_e = _tc2(edge_attr, W_e1, b_e1, W_e2, b_e2, W_gat_e, att_edge)
    c = _sc(src, dst, a_e.reshape(E), a_s.reshape(N), a_d.reshape(N), n2g)
    return _tc3(c, xt, n2g, b_gat, W_m1, b_m1, W_m2, b_m2)

# --- scband reference (transcript-rebuilt; emitter-appended) ---
"""Pipeline reference for scband-qagnn-66511863546218 (READ-ONLY COPY).

The authoritative reference and input builder live on the scoring server;
editing this copy changes nothing except your own understanding.
"""

import jax, jax.numpy as jnp
import numpy as np

N = 10000
E = 320000
G = 32
HID = 128

def setup_inputs(seed: int = 0):
    key = jax.random.key(seed)
    ks = jax.random.split(key, 32)
    s = 0.05
    inp = {}
    inp['x'] = jax.random.normal(ks[0], (N, 128), jnp.float32)
    inp['node_ids'] = jax.random.randint(ks[1], (N,), 0, 100000)
    inp['node_types'] = jax.random.uniform(ks[2], (N, 4), jnp.float32)
    inp['node_scores'] = jax.random.uniform(ks[3], (N, 1), jnp.float32)
    inp['edge_index'] = jax.random.randint(ks[4], (2, E), 0, N)
    inp['edge_type'] = jax.random.randint(ks[5], (E,), 0, 38)
    inp['edge_attr'] = jax.random.uniform(ks[6], (E, 46), jnp.float32)
    inp['node2graph'] = jnp.sort(jax.random.randint(ks[7], (N,), 0, G))
    inp['W_x2h'] = jax.random.normal(ks[8], (128, HID), jnp.float32) * s
    inp['b_x2h'] = jnp.zeros((HID,), jnp.float32)
    inp['W_nt'] = jax.random.normal(ks[9], (4, HID // 2), jnp.float32) * s
    inp['b_nt'] = jnp.zeros((HID // 2,), jnp.float32)
    inp['W_ns'] = jax.random.normal(ks[10], (1, HID // 2), jnp.float32) * s
    inp['b_ns'] = jnp.zeros((HID // 2,), jnp.float32)
    inp['W_h2h'] = jax.random.normal(ks[11], (2 * HID, HID), jnp.float32) * s
    inp['b_h2h'] = jnp.zeros((HID,), jnp.float32)
    inp['W_e1'] = jax.random.normal(ks[12], (46, HID), jnp.float32) * s
    inp['b_e1'] = jnp.zeros((HID,), jnp.float32)
    inp['W_e2'] = jax.random.normal(ks[13], (HID, HID), jnp.float32) * s
    inp['b_e2'] = jnp.zeros((HID,), jnp.float32)
    inp['W_gat'] = jax.random.normal(ks[14], (HID, HID), jnp.float32) * s
    inp['W_gat_e'] = jax.random.normal(ks[15], (HID, HID), jnp.float32) * s
    inp['att_src'] = jax.random.normal(ks[16], (HID,), jnp.float32) * s
    inp['att_dst'] = jax.random.normal(ks[17], (HID,), jnp.float32) * s
    inp['att_edge'] = jax.random.normal(ks[18], (HID,), jnp.float32) * s
    inp['b_gat'] = jnp.zeros((HID,), jnp.float32)
    inp['W_m1'] = jax.random.normal(ks[19], (HID, HID // 2), jnp.float32) * s
    inp['b_m1'] = jnp.zeros((HID // 2,), jnp.float32)
    inp['W_m2'] = jax.random.normal(ks[20], (HID // 2, 1), jnp.float32) * s
    inp['b_m2'] = jnp.zeros((1,), jnp.float32)
    return inp

def reference(x, node_ids, node_types, node_scores, edge_index, edge_type, edge_attr, node2graph,
              W_x2h, b_x2h, W_nt, b_nt, W_ns, b_ns, W_h2h, b_h2h,
              W_e1, b_e1, W_e2, b_e2, W_gat, W_gat_e, att_src, att_dst, att_edge, b_gat,
              W_m1, b_m1, W_m2, b_m2):
    # node encoders
    h = x @ W_x2h + b_x2h
    nt = node_types @ W_nt + b_nt
    ns = node_scores @ W_ns + b_ns
    h = jnp.concatenate([h, nt, ns], axis=-1) @ W_h2h + b_h2h
    h = jax.nn.relu(h)
    # edge encoder (Linear -> ReLU -> Linear -> ReLU)
    ea = jax.nn.relu(edge_attr @ W_e1 + b_e1)
    ea = jax.nn.relu(ea @ W_e2 + b_e2)
    # GATConv (heads=1, concat, add_self_loops=False, edge_dim=HID)
    src = edge_index[0]
    dst = edge_index[1]
    x_t = h @ W_gat                      # [N, HID]
    e_t = ea @ W_gat_e                   # [E, HID]
    a_src = (x_t * att_src).sum(-1)      # [N]
    a_dst = (x_t * att_dst).sum(-1)      # [N]
    a_edge = (e_t * att_edge).sum(-1)    # [E]
    alpha = a_src[src] + a_dst[dst] + a_edge
    alpha = jax.nn.leaky_relu(alpha, negative_slope=0.2)
    # segment softmax over destination nodes
    amax = jax.ops.segment_max(alpha, dst, num_segments=N)
    amax = jnp.where(jnp.isfinite(amax), amax, 0.0)
    ex = jnp.exp(alpha - amax[dst])
    denom = jax.ops.segment_sum(ex, dst, num_segments=N)
    w = ex / (denom[dst] + 1e-16)
    msg = x_t[src] * w[:, None]
    h = jax.ops.segment_sum(msg, dst, num_segments=N) + b_gat
    # global mean pool per graph
    counts = jax.ops.segment_sum(jnp.ones((N,), jnp.float32), node2graph, num_segments=G)
    sums = jax.ops.segment_sum(h, node2graph, num_segments=G)
    g = sums / jnp.maximum(counts, 1.0)[:, None]
    g = jax.nn.relu(g)
    # mlp head
    g = jax.nn.relu(g @ W_m1 + b_m1)
    out = g @ W_m2 + b_m2
    return out

if __name__ == "__main__":
    import jax
    _d = setup_inputs()
    print(jax.jit(kernel)(*tuple(_d.values())))

</pallas_src>

<mosaic_0001>
#map = affine_map<(d0, d1) -> (0)>
#map1 = affine_map<(d0, d1) -> (0, 0)>
module attributes {stable_mosaic.version = 14 : i64} {
  func.func @_scB_body(%arg0: i32, %arg1: i32, %arg2: memref<320000xi32, #tpu.memory_space<hbm>>, %arg3: memref<320000xi32, #tpu.memory_space<hbm>>, %arg4: memref<320000xf32, #tpu.memory_space<hbm>>, %arg5: memref<10000xi32, #tpu.memory_space<hbm>>, %arg6: memref<10000xf32, #tpu.memory_space<hbm>>, %arg7: memref<32x10000xf32, #tpu.memory_space<hbm>>, %arg8: memref<10000xi32, #tpu.memory_space<vmem>>, %arg9: memref<10000xf32, #tpu.memory_space<vmem>>, %arg10: memref<10000xf32, #tpu.memory_space<vmem>>, %arg11: memref<10000xi32, #tpu.memory_space<vmem>>, %arg12: memref<10000xi32, #tpu.memory_space<vmem>>, %arg13: memref<10000xf32, #tpu.memory_space<vmem>>) attributes {dimension_semantics = [#tpu.dimension_semantics<core_parallel>, #tpu.dimension_semantics<subcore_parallel>], iteration_bounds = array<i64: 2, 16>, scalar_prefetch = 0 : i64, scratch_operands = 6 : i64, tpu.core_type = #tpu.core_type<sc_vector_subcore>, window_params = [{transform_indices = #map}, {transform_indices = #map}, {transform_indices = #map}, {transform_indices = #map}, {transform_indices = #map}, {transform_indices = #map1}]} {
    %mul3A = arith.constant 2 : i32
    %mul3A_0 = arith.muli %arg1, %mul3A : i32
    %add3A = arith.addi %mul3A_0, %arg0 : i32
    "tpu.region"() ({
      %run_scoped3A = tpu.sem_alloc : memref<!tpu.dma_semaphore, #tpu.memory_space<semaphore_mem>>
      tpu.enqueue_dma source(%arg5 : memref<10000xi32, #tpu.memory_space<hbm>>) target(%arg8 : memref<10000xi32, #tpu.memory_space<vmem>>) target_semaphore(%run_scoped3A : memref<!tpu.dma_semaphore, #tpu.memory_space<semaphore_mem>>)
      tpu.wait_dma2 semaphore(%run_scoped3A : memref<!tpu.dma_semaphore, #tpu.memory_space<semaphore_mem>>) src(%arg5 : memref<10000xi32, #tpu.memory_space<hbm>>) dst(%arg8 : memref<10000xi32, #tpu.memory_space<vmem>>)
      tpu.yield
    }) : () -> ()
    "tpu.region"() ({
      %run_scoped3A = tpu.sem_alloc : memref<!tpu.dma_semaphore, #tpu.memory_space<semaphore_mem>>
      tpu.enqueue_dma source(%arg6 : memref<10000xf32, #tpu.memory_space<hbm>>) target(%arg9 : memref<10000xf32, #tpu.memory_space<vmem>>) target_semaphore(%run_scoped3A : memref<!tpu.dma_semaphore, #tpu.memory_space<semaphore_mem>>)
      tpu.wait_dma2 semaphore(%run_scoped3A : memref<!tpu.dma_semaphore, #tpu.memory_space<semaphore_mem>>) src(%arg6 : memref<10000xf32, #tpu.memory_space<hbm>>) dst(%arg9 : memref<10000xf32, #tpu.memory_space<vmem>>)
      tpu.yield
    }) : () -> ()
    %scan3A = arith.constant 0 : i32
    %scan3A_1 = arith.constant 0 : i32
    %scan3A_2 = arith.constant 625 : i32
    %scan3A_3 = arith.addi %scan3A_1, %scan3A_2 : i32
    %scan3A_4 = arith.constant 1 : i32
    scf.for %scan3A_12 = %scan3A_1 to %scan3A_3 step %scan3A_4  : i32 {
      %broadcast_in_dim3A = arith.constant 0.000000e+00 : f32
      %broadcast_in_dim3A_13 = vector.broadcast %broadcast_in_dim3A : f32 to vector<16xf32>
      %mul3A_14 = arith.constant 16 : i32
      %mul3A_15 = arith.muli %scan3A_12, %mul3A_14 : i32
      %swap3A = arith.index_cast %mul3A_15 : i32 to index
      %swap3A_16 = tpu.vector_load %arg10[%swap3A] {strides = array<i32>} : memref<10000xf32, #tpu.memory_space<vmem>>, vector<16xf32>,
      tpu.vector_store %arg10[%swap3A], %broadcast_in_dim3A_13 {strides = array<i32>} : memref<10000xf32, #tpu.memory_space<vmem>>, vector<16xf32>,
    }
    %scan3A_5 = arith.constant 625 : i32
    %scan3A_6 = arith.constant 0 : i32
    %scan3A_7 = arith.constant 0 : i32
    %scan3A_8 = arith.constant 32 : i32
    %scan3A_9 = arith.addi %scan3A_7, %scan3A_8 : i32
    %scan3A_10 = arith.constant 1 : i32
    scf.for %scan3A_12 = %scan3A_7 to %scan3A_9 step %scan3A_10  : i32 {
      %mul3A_13 = arith.constant 10000 : i32
      %mul3A_14 = arith.muli %scan3A_12, %mul3A_13 : i32
      "tpu.region"() ({
        %run_scoped3A = tpu.sem_alloc : memref<!tpu.dma_semaphore, #tpu.memory_space<semaphore_mem>>
        %dma_start3A = tpu.memref_slice %arg2[%mul3A_14] : memref<320000xi32, #tpu.memory_space<hbm>> -> memref<10000xi32, #tpu.memory_space<hbm>>
        %dma_start3A_24 = tpu.memref_slice %arg2[%mul3A_14] : memref<320000xi32, #tpu.memory_space<hbm>> -> memref<10000xi32, #tpu.memory_space<hbm>>
        tpu.enqueue_dma source(%dma_start3A_24 : memref<10000xi32, #tpu.memory_space<hbm>>) target(%arg11 : memref<10000xi32, #tpu.memory_space<vmem>>) target_semaphore(%run_scoped3A : memref<!tpu.dma_semaphore, #tpu.memory_space<semaphore_mem>>)
        %dma_wait3A = tpu.memref_slice %arg2[%mul3A_14] : memref<320000xi32, #tpu.memory_space<hbm>> -> memref<10000xi32, #tpu.memory_space<hbm>>
        %dma_wait3A_25 = tpu.memref_slice %arg2[%mul3A_14] : memref<320000xi32, #tpu.memory_space<hbm>> -> memref<10000xi32, #tpu.memory_space<hbm>>
        tpu.wait_dma2 semaphore(%run_scoped3A : memref<!tpu.dma_semaphore, #tpu.memory_space<semaphore_mem>>) src(%dma_wait3A_25 : memref<10000xi32, #tpu.memory_space<hbm>>) dst(%arg11 : memref<10000xi32, #tpu.memory_space<vmem>>)
        tpu.yield
      }) : () -> ()
      %mul3A_15 = arith.constant 10000 : i32
      %mul3A_16 = arith.muli %scan3A_12, %mul3A_15 : i32
      "tpu.region"() ({
        %run_scoped3A = tpu.sem_alloc : memref<!tpu.dma_semaphore, #tpu.memory_space<semaphore_mem>>
        %dma_start3A = tpu.memref_slice %arg3[%mul3A_16] : memref<320000xi32, #tpu.memory_space<hbm>> -> memref<10000xi32, #tpu.memory_space<hbm>>
        %dma_start3A_24 = tpu.memref_slice %arg3[%mul3A_16] : memref<320000xi32, #tpu.memory_space<hbm>> -> memref<10000xi32, #tpu.memory_space<hbm>>
        tpu.enqueue_dma source(%dma_start3A_24 : memref<10000xi32, #tpu.memory_space<hbm>>) target(%arg12 : memref<10000xi32, #tpu.memory_space<vmem>>) target_semaphore(%run_scoped3A : memref<!tpu.dma_semaphore, #tpu.memory_space<semaphore_mem>>)
        %dma_wait3A = tpu.memref_slice %arg3[%mul3A_16] : memref<320000xi32, #tpu.memory_space<hbm>> -> memref<10000xi32, #tpu.memory_space<hbm>>
        %dma_wait3A_25 = tpu.memref_slice %arg3[%mul3A_16] : memref<320000xi32, #tpu.memory_space<hbm>> -> memref<10000xi32, #tpu.memory_space<hbm>>
        tpu.wait_dma2 semaphore(%run_scoped3A : memref<!tpu.dma_semaphore, #tpu.memory_space<semaphore_mem>>) src(%dma_wait3A_25 : memref<10000xi32, #tpu.memory_space<hbm>>) dst(%arg12 : memref<10000xi32, #tpu.memory_space<vmem>>)
        tpu.yield
      }) : () -> ()
      %mul3A_17 = arith.constant 10000 : i32
      %mul3A_18 = arith.muli %scan3A_12, %mul3A_17 : i32
      "tpu.region"() ({
        %run_scoped3A = tpu.sem_alloc : memref<!tpu.dma_semaphore, #tpu.memory_space<semaphore_mem>>
        %dma_start3A = tpu.memref_slice %arg4[%mul3A_18] : memref<320000xf32, #tpu.memory_space<hbm>> -> memref<10000xf32, #tpu.memory_space<hbm>>
        %dma_start3A_24 = tpu.memref_slice %arg4[%mul3A_18] : memref<320000xf32, #tpu.memory_space<hbm>> -> memref<10000xf32, #tpu.memory_space<hbm>>
        tpu.enqueue_dma source(%dma_start3A_24 : memref<10000xf32, #tpu.memory_space<hbm>>) target(%arg13 : memref<10000xf32, #tpu.memory_space<vmem>>) target_semaphore(%run_scoped3A : memref<!tpu.dma_semaphore, #tpu.memory_space<semaphore_mem>>)
        %dma_wait3A = tpu.memref_slice %arg4[%mul3A_18] : memref<320000xf32, #tpu.memory_space<hbm>> -> memref<10000xf32, #tpu.memory_space<hbm>>
        %dma_wait3A_25 = tpu.memref_slice %arg4[%mul3A_18] : memref<320000xf32, #tpu.memory_space<hbm>> -> memref<10000xf32, #tpu.memory_space<hbm>>
        tpu.wait_dma2 semaphore(%run_scoped3A : memref<!tpu.dma_semaphore, #tpu.memory_space<semaphore_mem>>) src(%dma_wait3A_25 : memref<10000xf32, #tpu.memory_space<hbm>>) dst(%arg13 : memref<10000xf32, #tpu.memory_space<vmem>>)
        tpu.yield
      }) : () -> ()
      %scan3A_19 = arith.constant 0 : i32
      %scan3A_20 = arith.constant 625 : i32
      %scan3A_21 = arith.addi %scan3A_19, %scan3A_20 : i32
      %scan3A_22 = arith.constant 1 : i32
      scf.for %scan3A_24 = %scan3A_19 to %scan3A_21 step %scan3A_22  : i32 {
        %mul3A_25 = arith.constant 16 : i32
        %mul3A_26 = arith.muli %scan3A_24, %mul3A_25 : i32
        %get3A = arith.index_cast %mul3A_26 : i32 to index
        %get3A_27 = tpu.vector_load %arg11[%get3A] {strides = array<i32>} : memref<10000xi32, #tpu.memory_space<vmem>>, vector<16xi32>,
        %mul3A_28 = arith.constant 16 : i32
        %mul3A_29 = arith.muli %scan3A_24, %mul3A_28 : i32
        %get3A_30 = arith.index_cast %mul3A_29 : i32 to index
        %get3A_31 = tpu.vector_load %arg12[%get3A_30] {strides = array<i32>} : memref<10000xi32, #tpu.memory_space<vmem>>, vector<16xi32>,
        %mul3A_32 = arith.constant 16 : i32
        %mul3A_33 = arith.muli %scan3A_24, %mul3A_32 : i32
        %get3A_34 = arith.index_cast %mul3A_33 : i32 to index
        %get3A_35 = tpu.vector_load %arg13[%get3A_34] {strides = array<i32>} : memref<10000xf32, #tpu.memory_space<vmem>>, vector<16xf32>,
        %gather3A = tpu.vector_load_idx %arg8[%get3A_31] : memref<10000xi32, #tpu.memory_space<vmem>>[vector<16xi32>], vector<16xi32>,
        %eq3A = vector.broadcast %add3A : i32 to vector<16xi32>
        %eq3A_36 = arith.cmpi eq, %gather3A, %eq3A : vector<16xi32>
        %gather3A_37 = tpu.vector_load_idx %arg9[%get3A_31] : memref<10000xf32, #tpu.memory_space<vmem>>[vector<16xi32>], vector<16xf32>,
        %mul3A_38 = arith.mulf %get3A_35, %gather3A_37 : vector<16xf32>
        tpu.vector_store_idx %arg10[%get3A_27], %mul3A_38 masked %eq3A_36 {add = true} : memref<10000xf32, #tpu.memory_space<vmem>>[vector<16xi32>], vector<16xf32>, vector<16xi1>
      }
      %scan3A_23 = arith.constant 625 : i32
    }
    %scan3A_11 = arith.constant 32 : i32
    "tpu.region"() ({
      %run_scoped3A = tpu.sem_alloc : memref<!tpu.dma_semaphore, #tpu.memory_space<semaphore_mem>>
      %dma_start3A = arith.constant 0 : i32
      %dma_start3A_12 = tpu.memref_slice %arg7[%add3A, %dma_start3A] : memref<32x10000xf32, #tpu.memory_space<hbm>> -> memref<1x10000xf32, #tpu.memory_space<hbm>>
      %dma_start3A_13 = tpu.memref_squeeze %dma_start3A_12 : memref<1x10000xf32, #tpu.memory_space<hbm>> -> memref<10000xf32, #tpu.memory_space<hbm>>
      %dma_start3A_14 = arith.constant 0 : i32
      %dma_start3A_15 = tpu.memref_slice %arg7[%add3A, %dma_start3A_14] : memref<32x10000xf32, #tpu.memory_space<hbm>> -> memref<1x10000xf32, #tpu.memory_space<hbm>>
      %dma_start3A_16 = tpu.memref_squeeze %dma_start3A_15 : memref<1x10000xf32, #tpu.memory_space<hbm>> -> memref<10000xf32, #tpu.memory_space<hbm>>
      tpu.enqueue_dma source(%arg10 : memref<10000xf32, #tpu.memory_space<vmem>>) target(%dma_start3A_16 : memref<10000xf32, #tpu.memory_space<hbm>>) target_semaphore(%run_scoped3A : memref<!tpu.dma_semaphore, #tpu.memory_space<semaphore_mem>>)
      %dma_wait3A = arith.constant 0 : i32
      %dma_wait3A_17 = tpu.memref_slice %arg7[%add3A, %dma_wait3A] : memref<32x10000xf32, #tpu.memory_space<hbm>> -> memref<1x10000xf32, #tpu.memory_space<hbm>>
      %dma_wait3A_18 = tpu.memref_squeeze %dma_wait3A_17 : memref<1x10000xf32, #tpu.memory_space<hbm>> -> memref<10000xf32, #tpu.memory_space<hbm>>
      %dma_wait3A_19 = arith.constant 0 : i32
      %dma_wait3A_20 = tpu.memref_slice %arg7[%add3A, %dma_wait3A_19] : memref<32x10000xf32, #tpu.memory_space<hbm>> -> memref<1x10000xf32, #tpu.memory_space<hbm>>
      %dma_wait3A_21 = tpu.memref_squeeze %dma_wait3A_20 : memref<1x10000xf32, #tpu.memory_space<hbm>> -> memref<10000xf32, #tpu.memory_space<hbm>>
      tpu.wait_dma2 semaphore(%run_scoped3A : memref<!tpu.dma_semaphore, #tpu.memory_space<semaphore_mem>>) src(%arg10 : memref<10000xf32, #tpu.memory_space<vmem>>) dst(%dma_wait3A_21 : memref<10000xf32, #tpu.memory_space<hbm>>)
      tpu.yield
    }) : () -> ()
    return
  }
}

#map = affine_map<(d0, d1) -> (0)>
#map1 = affine_map<(d0, d1) -> (0, 0)>
module attributes {stable_mosaic.version = 14 : i64} {
  func.func @_scA_body(%arg0: i32, %arg1: i32, %arg2: memref<320000xi32, #tpu.memory_space<hbm>>, %arg3: memref<320000xi32, #tpu.memory_space<hbm>>, %arg4: memref<320000xf32, #tpu.memory_space<hbm>>, %arg5: memref<10000xf32, #tpu.memory_space<hbm>>, %arg6: memref<10000xf32, #tpu.memory_space<hbm>>, %arg7: memref<32x10000xf32, #tpu.memory_space<hbm>>, %arg8: memref<320000xf32, #tpu.memory_space<hbm>>, %arg9: memref<10000xf32, #tpu.memory_space<vmem>>, %arg10: memref<10000xf32, #tpu.memory_space<vmem>>, %arg11: memref<10000xf32, #tpu.memory_space<vmem>>, %arg12: memref<10000xi32, #tpu.memory_space<vmem>>, %arg13: memref<10000xi32, #tpu.memory_space<vmem>>, %arg14: memref<10000xf32, #tpu.memory_space<vmem>>, %arg15: memref<10000xf32, #tpu.memory_space<vmem>>) attributes {dimension_semantics = [#tpu.dimension_semantics<core_parallel>, #tpu.dimension_semantics<subcore_parallel>], iteration_bounds = array<i64: 2, 16>, scalar_prefetch = 0 : i64, scratch_operands = 7 : i64, tpu.core_type = #tpu.core_type<sc_vector_subcore>, window_params = [{transform_indices = #map}, {transform_indices = #map}, {transform_indices = #map}, {transform_indices = #map}, {transform_indices = #map}, {transform_indices = #map1}, {transform_indices = #map}]} {
    %mul3A = arith.constant 2 : i32
    %mul3A_0 = arith.muli %arg1, %mul3A : i32
    %add3A = arith.addi %mul3A_0, %arg0 : i32
    "tpu.region"() ({
      %run_scoped3A = tpu.sem_alloc : memref<!tpu.dma_semaphore, #tpu.memory_space<semaphore_mem>>
      tpu.enqueue_dma source(%arg5 : memref<10000xf32, #tpu.memory_space<hbm>>) target(%arg9 : memref<10000xf32, #tpu.memory_space<vmem>>) target_semaphore(%run_scoped3A : memref<!tpu.dma_semaphore, #tpu.memory_space<semaphore_mem>>)
      tpu.wait_dma2 semaphore(%run_scoped3A : memref<!tpu.dma_semaphore, #tpu.memory_space<semaphore_mem>>) src(%arg5 : memref<10000xf32, #tpu.memory_space<hbm>>) dst(%arg9 : memref<10000xf32, #tpu.memory_space<vmem>>)
      tpu.yield
    }) : () -> ()
    "tpu.region"() ({
      %run_scoped3A = tpu.sem_alloc : memref<!tpu.dma_semaphore, #tpu.memory_space<semaphore_mem>>
      tpu.enqueue_dma source(%arg6 : memref<10000xf32, #tpu.memory_space<hbm>>) target(%arg10 : memref<10000xf32, #tpu.memory_space<vmem>>) target_semaphore(%run_scoped3A : memref<!tpu.dma_semaphore, #tpu.memory_space<semaphore_mem>>)
      tpu.wait_dma2 semaphore(%run_scoped3A : memref<!tpu.dma_semaphore, #tpu.memory_space<semaphore_mem>>) src(%arg6 : memref<10000xf32, #tpu.memory_space<hbm>>) dst(%arg10 : memref<10000xf32, #tpu.memory_space<vmem>>)
      tpu.yield
    }) : () -> ()
    %scan3A = arith.constant 0 : i32
    %scan3A_1 = arith.constant 0 : i32
    %scan3A_2 = arith.constant 625 : i32
    %scan3A_3 = arith.addi %scan3A_1, %scan3A_2 : i32
    %scan3A_4 = arith.constant 1 : i32
    scf.for %scan3A_25 = %scan3A_1 to %scan3A_3 step %scan3A_4  : i32 {
      %broadcast_in_dim3A = arith.constant 0.000000e+00 : f32
      %broadcast_in_dim3A_26 = vector.broadcast %broadcast_in_dim3A : f32 to vector<16xf32>
      %mul3A_27 = arith.constant 16 : i32
      %mul3A_28 = arith.muli %scan3A_25, %mul3A_27 : i32
      %swap3A = arith.index_cast %mul3A_28 : i32 to index
      %swap3A_29 = tpu.vector_load %arg11[%swap3A] {strides = array<i32>} : memref<10000xf32, #tpu.memory_space<vmem>>, vector<16xf32>,
      tpu.vector_store %arg11[%swap3A], %broadcast_in_dim3A_26 {strides = array<i32>} : memref<10000xf32, #tpu.memory_space<vmem>>, vector<16xf32>,
    }
    %scan3A_5 = arith.constant 625 : i32
    %scan3A_6 = arith.constant 0 : i32
    %scan3A_7 = arith.constant 0 : i32
    %mul3A_8 = arith.constant 1 : i32
    %mul3A_9 = arith.muli %add3A, %mul3A_8 : i32
    %add3A_10 = arith.addi %mul3A_9, %scan3A_7 : i32
    %mul3A_11 = arith.constant 10000 : i32
    %mul3A_12 = arith.muli %add3A_10, %mul3A_11 : i32
    "tpu.region"() ({
      %run_scoped3A = tpu.sem_alloc : memref<!tpu.dma_semaphore, #tpu.memory_space<semaphore_mem>>
      %dma_start3A = tpu.memref_slice %arg2[%mul3A_12] : memref<320000xi32, #tpu.memory_space<hbm>> -> memref<10000xi32, #tpu.memory_space<hbm>>
      %dma_start3A_25 = tpu.memref_slice %arg2[%mul3A_12] : memref<320000xi32, #tpu.memory_space<hbm>> -> memref<10000xi32, #tpu.memory_space<hbm>>
      tpu.enqueue_dma source(%dma_start3A_25 : memref<10000xi32, #tpu.memory_space<hbm>>) target(%arg12 : memref<10000xi32, #tpu.memory_space<vmem>>) target_semaphore(%run_scoped3A : memref<!tpu.dma_semaphore, #tpu.memory_space<semaphore_mem>>)
      %dma_wait3A = tpu.memref_slice %arg2[%mul3A_12] : memref<320000xi32, #tpu.memory_space<hbm>> -> memref<10000xi32, #tpu.memory_space<hbm>>
      %dma_wait3A_26 = tpu.memref_slice %arg2[%mul3A_12] : memref<320000xi32, #tpu.memory_space<hbm>> -> memref<10000xi32, #tpu.memory_space<hbm>>
      tpu.wait_dma2 semaphore(%run_scoped3A : memref<!tpu.dma_semaphore, #tpu.memory_space<semaphore_mem>>) src(%dma_wait3A_26 : memref<10000xi32, #tpu.memory_space<hbm>>) dst(%arg12 : memref<10000xi32, #tpu.memory_space<vmem>>)
      tpu.yield
    }) : () -> ()
    %mul3A_13 = arith.constant 10000 : i32
    %mul3A_14 = arith.muli %add3A_10, %mul3A_13 : i32
    "tpu.region"() ({
      %run_scoped3A = tpu.sem_alloc : memref<!tpu.dma_semaphore, #tpu.memory_space<semaphore_mem>>
      %dma_start3A = tpu.memref_slice %arg3[%mul3A_14] : memref<320000xi32, #tpu.memory_space<hbm>> -> memref<10000xi32, #tpu.memory_space<hbm>>
      %dma_start3A_25 = tpu.memref_slice %arg3[%mul3A_14] : memref<320000xi32, #tpu.memory_space<hbm>> -> memref<10000xi32, #tpu.memory_space<hbm>>
      tpu.enqueue_dma source(%dma_start3A_25 : memref<10000xi32, #tpu.memory_space<hbm>>) target(%arg13 : memref<10000xi32, #tpu.memory_space<vmem>>) target_semaphore(%run_scoped3A : memref<!tpu.dma_semaphore, #tpu.memory_space<semaphore_mem>>)
      %dma_wait3A = tpu.memref_slice %arg3[%mul3A_14] : memref<320000xi32, #tpu.memory_space<hbm>> -> memref<10000xi32, #tpu.memory_space<hbm>>
      %dma_wait3A_26 = tpu.memref_slice %arg3[%mul3A_14] : memref<320000xi32, #tpu.memory_space<hbm>> -> memref<10000xi32, #tpu.memory_space<hbm>>
      tpu.wait_dma2 semaphore(%run_scoped3A : memref<!tpu.dma_semaphore, #tpu.memory_space<semaphore_mem>>) src(%dma_wait3A_26 : memref<10000xi32, #tpu.memory_space<hbm>>) dst(%arg13 : memref<10000xi32, #tpu.memory_space<vmem>>)
      tpu.yield
    }) : () -> ()
    %mul3A_15 = arith.constant 10000 : i32
    %mul3A_16 = arith.muli %add3A_10, %mul3A_15 : i32
    "tpu.region"() ({
      %run_scoped3A = tpu.sem_alloc : memref<!tpu.dma_semaphore, #tpu.memory_space<semaphore_mem>>
      %dma_start3A = tpu.memref_slice %arg4[%mul3A_16] : memref<320000xf32, #tpu.memory_space<hbm>> -> memref<10000xf32, #tpu.memory_space<hbm>>
      %dma_start3A_25 = tpu.memref_slice %arg4[%mul3A_16] : memref<320000xf32, #tpu.memory_space<hbm>> -> memref<10000xf32, #tpu.memory_space<hbm>>
      tpu.enqueue_dma source(%dma_start3A_25 : memref<10000xf32, #tpu.memory_space<hbm>>) target(%arg14 : memref<10000xf32, #tpu.memory_space<vmem>>) target_semaphore(%run_scoped3A : memref<!tpu.dma_semaphore, #tpu.memory_space<semaphore_mem>>)
      %dma_wait3A = tpu.memref_slice %arg4[%mul3A_16] : memref<320000xf32, #tpu.memory_space<hbm>> -> memref<10000xf32, #tpu.memory_space<hbm>>
      %dma_wait3A_26 = tpu.memref_slice %arg4[%mul3A_16] : memref<320000xf32, #tpu.memory_space<hbm>> -> memref<10000xf32, #tpu.memory_space<hbm>>
      tpu.wait_dma2 semaphore(%run_scoped3A : memref<!tpu.dma_semaphore, #tpu.memory_space<semaphore_mem>>) src(%dma_wait3A_26 : memref<10000xf32, #tpu.memory_space<hbm>>) dst(%arg14 : memref<10000xf32, #tpu.memory_space<vmem>>)
      tpu.yield
    }) : () -> ()
    %scan3A_17 = arith.constant 0 : i32
    %scan3A_18 = arith.constant 625 : i32
    %scan3A_19 = arith.addi %scan3A_17, %scan3A_18 : i32
    %scan3A_20 = arith.constant 1 : i32
    scf.for %scan3A_25 = %scan3A_17 to %scan3A_19 step %scan3A_20  : i32 {
      %mul3A_26 = arith.constant 16 : i32
      %mul3A_27 = arith.muli %scan3A_25, %mul3A_26 : i32
      %get3A = arith.index_cast %mul3A_27 : i32 to index
      %get3A_28 = tpu.vector_load %arg12[%get3A] {strides = array<i32>} : memref<10000xi32, #tpu.memory_space<vmem>>, vector<16xi32>,
      %mul3A_29 = arith.constant 16 : i32
      %mul3A_30 = arith.muli %scan3A_25, %mul3A_29 : i32
      %get3A_31 = arith.index_cast %mul3A_30 : i32 to index
      %get3A_32 = tpu.vector_load %arg13[%get3A_31] {strides = array<i32>} : memref<10000xi32, #tpu.memory_space<vmem>>, vector<16xi32>,
      %mul3A_33 = arith.constant 16 : i32
      %mul3A_34 = arith.muli %scan3A_25, %mul3A_33 : i32
      %get3A_35 = arith.index_cast %mul3A_34 : i32 to index
      %get3A_36 = tpu.vector_load %arg14[%get3A_35] {strides = array<i32>} : memref<10000xf32, #tpu.memory_space<vmem>>, vector<16xf32>,
      %gather3A = tpu.vector_load_idx %arg9[%get3A_28] : memref<10000xf32, #tpu.memory_space<vmem>>[vector<16xi32>], vector<16xf32>,
      %gather3A_37 = tpu.vector_load_idx %arg10[%get3A_32] : memref<10000xf32, #tpu.memory_space<vmem>>[vector<16xi32>], vector<16xf32>,
      %add3A_38 = arith.addf %gather3A, %gather3A_37 : vector<16xf32>
      %add3A_39 = arith.addf %add3A_38, %get3A_36 : vector<16xf32>
      %mul3A_40 = arith.constant 2.000000e-01 : f32
      %mul3A_41 = vector.broadcast %mul3A_40 : f32 to vector<16xf32>
      %mul3A_42 = arith.mulf %mul3A_41, %add3A_39 : vector<16xf32>
      %max3A = arith.maximumf %add3A_39, %mul3A_42 : vector<16xf32>
      %exp3A = math.exp %max3A : vector<16xf32>
      tpu.vector_store_idx %arg11[%get3A_32], %exp3A {add = true} : memref<10000xf32, #tpu.memory_space<vmem>>[vector<16xi32>], vector<16xf32>,
      %mul3A_43 = arith.constant 16 : i32
      %mul3A_44 = arith.muli %scan3A_25, %mul3A_43 : i32
      %swap3A = arith.index_cast %mul3A_44 : i32 to index
      %swap3A_45 = tpu.vector_load %arg15[%swap3A] {strides = array<i32>} : memref<10000xf32, #tpu.memory_space<vmem>>, vector<16xf32>,
      tpu.vector_store %arg15[%swap3A], %exp3A {strides = array<i32>} : memref<10000xf32, #tpu.memory_space<vmem>>, vector<16xf32>,
    }
    %scan3A_21 = arith.constant 625 : i32
    %mul3A_22 = arith.constant 10000 : i32
    %mul3A_23 = arith.muli %add3A_10, %mul3A_22 : i32
    "tpu.region"() ({
      %run_scoped3A = tpu.sem_alloc : memref<!tpu.dma_semaphore, #tpu.memory_space<semaphore_mem>>
      %dma_start3A = tpu.memref_slice %arg8[%mul3A_23] : memref<320000xf32, #tpu.memory_space<hbm>> -> memref<10000xf32, #tpu.memory_space<hbm>>
      %dma_start3A_25 = tpu.memref_slice %arg8[%mul3A_23] : memref<320000xf32, #tpu.memory_space<hbm>> -> memref<10000xf32, #tpu.memory_space<hbm>>
      tpu.enqueue_dma source(%arg15 : memref<10000xf32, #tpu.memory_space<vmem>>) target(%dma_start3A_25 : memref<10000xf32, #tpu.memory_space<hbm>>) target_semaphore(%run_scoped3A : memref<!tpu.dma_semaphore, #tpu.memory_space<semaphore_mem>>)
      %dma_wait3A = tpu.memref_slice %arg8[%mul3A_23] : memref<320000xf32, #tpu.memory_space<hbm>> -> memref<10000xf32, #tpu.memory_space<hbm>>
      %dma_wait3A_26 = tpu.memref_slice %arg8[%mul3A_23] : memref<320000xf32, #tpu.memory_space<hbm>> -> memref<10000xf32, #tpu.memory_space<hbm>>
      tpu.wait_dma2 semaphore(%run_scoped3A : memref<!tpu.dma_semaphore, #tpu.memory_space<semaphore_mem>>) src(%arg15 : memref<10000xf32, #tpu.memory_space<vmem>>) dst(%dma_wait3A_26 : memref<10000xf32, #tpu.memory_space<hbm>>)
      tpu.yield
    }) : () -> ()
    %scan3A_24 = arith.constant 1 : i32
    "tpu.region"() ({
      %run_scoped3A = tpu.sem_alloc : memref<!tpu.dma_semaphore, #tpu.memory_space<semaphore_mem>>
      %dma_start3A = arith.constant 0 : i32
      %dma_start3A_25 = tpu.memref_slice %arg7[%add3A, %dma_start3A] : memref<32x10000xf32, #tpu.memory_space<hbm>> -> memref<1x10000xf32, #tpu.memory_space<hbm>>
      %dma_start3A_26 = tpu.memref_squeeze %dma_start3A_25 : memref<1x10000xf32, #tpu.memory_space<hbm>> -> memref<10000xf32, #tpu.memory_space<hbm>>
      %dma_start3A_27 = arith.constant 0 : i32
      %dma_start3A_28 = tpu.memref_slice %arg7[%add3A, %dma_start3A_27] : memref<32x10000xf32, #tpu.memory_space<hbm>> -> memref<1x10000xf32, #tpu.memory_space<hbm>>
      %dma_start3A_29 = tpu.memref_squeeze %dma_start3A_28 : memref<1x10000xf32, #tpu.memory_space<hbm>> -> memref<10000xf32, #tpu.memory_space<hbm>>
      tpu.enqueue_dma source(%arg11 : memref<10000xf32, #tpu.memory_space<vmem>>) target(%dma_start3A_29 : memref<10000xf32, #tpu.memory_space<hbm>>) target_semaphore(%run_scoped3A : memref<!tpu.dma_semaphore, #tpu.memory_space<semaphore_mem>>)
      %dma_wait3A = arith.constant 0 : i32
      %dma_wait3A_30 = tpu.memref_slice %arg7[%add3A, %dma_wait3A] : memref<32x10000xf32, #tpu.memory_space<hbm>> -> memref<1x10000xf32, #tpu.memory_space<hbm>>
      %dma_wait3A_31 = tpu.memref_squeeze %dma_wait3A_30 : memref<1x10000xf32, #tpu.memory_space<hbm>> -> memref<10000xf32, #tpu.memory_space<hbm>>
      %dma_wait3A_32 = arith.constant 0 : i32
      %dma_wait3A_33 = tpu.memref_slice %arg7[%add3A, %dma_wait3A_32] : memref<32x10000xf32, #tpu.memory_space<hbm>> -> memref<1x10000xf32, #tpu.memory_space<hbm>>
      %dma_wait3A_34 = tpu.memref_squeeze %dma_wait3A_33 : memref<1x10000xf32, #tpu.memory_space<hbm>> -> memref<10000xf32, #tpu.memory_space<hbm>>
      tpu.wait_dma2 semaphore(%run_scoped3A : memref<!tpu.dma_semaphore, #tpu.memory_space<semaphore_mem>>) src(%arg11 : memref<10000xf32, #tpu.memory_space<vmem>>) dst(%dma_wait3A_34 : memref<10000xf32, #tpu.memory_space<hbm>>)
      tpu.yield
    }) : () -> ()
    return
  }
}

module attributes {stable_mosaic.version = 14 : i64} {
  func.func @_tc2_body(%arg0: i32, %arg1: memref<3200x46xf32, #tpu.memory_space<vmem>>, %arg2: memref<46x128xf32, #tpu.memory_space<vmem>>, %arg3: memref<1x128xf32, #tpu.memory_space<vmem>>, %arg4: memref<128x128xf32, #tpu.memory_space<vmem>>, %arg5: memref<1x128xf32, #tpu.memory_space<vmem>>, %arg6: memref<128x128xf32, #tpu.memory_space<vmem>>, %arg7: memref<1x128xf32, #tpu.memory_space<vmem>>, %arg8: memref<3200x1xf32, #tpu.memory_space<vmem>>) attributes {dimension_semantics = [#tpu.dimension_semantics<arbitrary>], iteration_bounds = array<i64: 100>, scalar_prefetch = 0 : i64, scratch_operands = 0 : i64, tpu.core_type = #tpu.core_type<tc>, window_params = [{transform_indices = @transform_0, window_bounds = array<i64: 3200, 46>}, {pipeline_mode = #tpu.pipeline_mode<synchronous>, transform_indices = @transform_1, window_bounds = array<i64: 46, 128>}, {pipeline_mode = #tpu.pipeline_mode<synchronous>, transform_indices = @transform_2, window_bounds = array<i64: 1, 128>}, {pipeline_mode = #tpu.pipeline_mode<synchronous>, transform_indices = @transform_3, window_bounds = array<i64: 128, 128>}, {pipeline_mode = #tpu.pipeline_mode<synchronous>, transform_indices = @transform_4, window_bounds = array<i64: 1, 128>}, {pipeline_mode = #tpu.pipeline_mode<synchronous>, transform_indices = @transform_5, window_bounds = array<i64: 128, 128>}, {pipeline_mode = #tpu.pipeline_mode<synchronous>, transform_indices = @transform_6, window_bounds = array<i64: 1, 128>}, {transform_indices = @transform_7, window_bounds = array<i64: 3200, 1>}]} {
    %get3A = arith.constant 0 : index
    %get3A_0 = arith.constant 0 : index
    %get3A_1 = vector.load %arg1[%get3A, %get3A_0] : memref<3200x46xf32, #tpu.memory_space<vmem>>, vector<3200x46xf32>
    %get3A_2 = arith.constant 0 : index
    %get3A_3 = arith.constant 0 : index
    %get3A_4 = vector.load %arg2[%get3A_2, %get3A_3] : memref<46x128xf32, #tpu.memory_space<vmem>>, vector<46x128xf32>
    %dot_general3A = arith.constant dense<0.000000e+00> : vector<3200x128xf32>
    %dot_general3A_5 = tpu.matmul %get3A_1, %get3A_4, %dot_general3A {dimension_numbers = #tpu.dot_dimension_numbers<[1], [0], [0], [1], [0, 0, 1, 1], [], []>, transpose_lhs_hint = false} : vector<3200x46xf32>, vector<46x128xf32>, vector<3200x128xf32> -> vector<3200x128xf32>
    %get3A_6 = arith.constant 0 : index
    %get3A_7 = arith.constant 0 : index
    %get3A_8 = vector.load %arg3[%get3A_6, %get3A_7] : memref<1x128xf32, #tpu.memory_space<vmem>>, vector<1x128xf32>
    %add3A = vector.broadcast %get3A_8 : vector<1x128xf32> to vector<3200x128xf32>
    %add3A_9 = arith.addf %dot_general3A_5, %add3A : vector<3200x128xf32>
    %max3A = arith.constant 0.000000e+00 : f32
    %max3A_10 = vector.broadcast %max3A : f32 to vector<3200x128xf32>
    %max3A_11 = arith.maximumf %add3A_9, %max3A_10 : vector<3200x128xf32>
    %get3A_12 = arith.constant 0 : index
    %get3A_13 = arith.constant 0 : index
    %get3A_14 = vector.load %arg4[%get3A_12, %get3A_13] : memref<128x128xf32, #tpu.memory_space<vmem>>, vector<128x128xf32>
    %dot_general3A_15 = arith.constant dense<0.000000e+00> : vector<3200x128xf32>
    %dot_general3A_16 = tpu.matmul %max3A_11, %get3A_14, %dot_general3A_15 {dimension_numbers = #tpu.dot_dimension_numbers<[1], [0], [0], [1], [0, 0, 1, 1], [], []>, transpose_lhs_hint = false} : vector<3200x128xf32>, vector<128x128xf32>, vector<3200x128xf32> -> vector<3200x128xf32>
    %get3A_17 = arith.constant 0 : index
    %get3A_18 = arith.constant 0 : index
    %get3A_19 = vector.load %arg5[%get3A_17, %get3A_18] : memref<1x128xf32, #tpu.memory_space<vmem>>, vector<1x128xf32>
    %add3A_20 = vector.broadcast %get3A_19 : vector<1x128xf32> to vector<3200x128xf32>
    %add3A_21 = arith.addf %dot_general3A_16, %add3A_20 : vector<3200x128xf32>
    %max3A_22 = arith.constant 0.000000e+00 : f32
    %max3A_23 = vector.broadcast %max3A_22 : f32 to vector<3200x128xf32>
    %max3A_24 = arith.maximumf %add3A_21, %max3A_23 : vector<3200x128xf32>
    %get3A_25 = arith.constant 0 : index
    %get3A_26 = arith.constant 0 : index
    %get3A_27 = vector.load %arg6[%get3A_25, %get3A_26] : memref<128x128xf32, #tpu.memory_space<vmem>>, vector<128x128xf32>
    %get3A_28 = arith.constant 0 : index
    %get3A_29 = arith.constant 0 : index
    %get3A_30 = vector.load %arg7[%get3A_28, %get3A_29] : memref<1x128xf32, #tpu.memory_space<vmem>>, vector<1x128xf32>
    %reshape3A = vector.shape_cast %get3A_30 : vector<1x128xf32> to vector<128x1xf32>
    %dot_general3A_31 = arith.constant dense<0.000000e+00> : vector<128x1xf32>
    %dot_general3A_32 = tpu.matmul %get3A_27, %reshape3A, %dot_general3A_31 {dimension_numbers = #tpu.dot_dimension_numbers<[1], [0], [0], [1], [0, 0, 1, 1], [], []>, transpose_lhs_hint = false} : vector<128x128xf32>, vector<128x1xf32>, vector<128x1xf32> -> vector<128x1xf32>
    %dot_general3A_33 = arith.constant dense<0.000000e+00> : vector<3200x1xf32>
    %dot_general3A_34 = tpu.matmul %max3A_24, %dot_general3A_32, %dot_general3A_33 {dimension_numbers = #tpu.dot_dimension_numbers<[1], [0], [0], [1], [0, 0, 1, 1], [], []>, transpose_lhs_hint = false} : vector<3200x128xf32>, vector<128x1xf32>, vector<3200x1xf32> -> vector<3200x1xf32>
    %swap3A = arith.constant 0 : index
    %swap3A_35 = arith.constant 0 : index
    %swap3A_36 = vector.load %arg8[%swap3A, %swap3A_35] : memref<3200x1xf32, #tpu.memory_space<vmem>>, vector<3200x1xf32>
    tpu.vector_store %arg8[%swap3A, %swap3A_35], %dot_general3A_34 {strides = array<i32>} : memref<3200x1xf32, #tpu.memory_space<vmem>>, vector<3200x1xf32>,
    return
  }
  func.func @transform_0(%arg0: i32) -> (i32, i32) {
    %c0_i32 = arith.constant 0 : i32
    %c0_i32_0 = arith.constant 0 : i32
    return %arg0, %c0_i32 : i32, i32
  }
  func.func @transform_1(%arg0: i32) -> (i32, i32) {
    %c0_i32 = arith.constant 0 : i32
    %c0_i32_0 = arith.constant 0 : i32
    %c0_i32_1 = arith.constant 0 : i32
    return %c0_i32, %c0_i32_0 : i32, i32
  }
  func.func @transform_2(%arg0: i32) -> (i32, i32) {
    %c0_i32 = arith.constant 0 : i32
    %c0_i32_0 = arith.constant 0 : i32
    %c0_i32_1 = arith.constant 0 : i32
    return %c0_i32, %c0_i32_0 : i32, i32
  }
  func.func @transform_3(%arg0: i32) -> (i32, i32) {
    %c0_i32 = arith.constant 0 : i32
    %c0_i32_0 = arith.constant 0 : i32
    %c0_i32_1 = arith.constant 0 : i32
    return %c0_i32, %c0_i32_0 : i32, i32
  }
  func.func @transform_4(%arg0: i32) -> (i32, i32) {
    %c0_i32 = arith.constant 0 : i32
    %c0_i32_0 = arith.constant 0 : i32
    %c0_i32_1 = arith.constant 0 : i32
    return %c0_i32, %c0_i32_0 : i32, i32
  }
  func.func @transform_5(%arg0: i32) -> (i32, i32) {
    %c0_i32 = arith.constant 0 : i32
    %c0_i32_0 = arith.constant 0 : i32
    %c0_i32_1 = arith.constant 0 : i32
    return %c0_i32, %c0_i32_0 : i32, i32
  }
  func.func @transform_6(%arg0: i32) -> (i32, i32) {
    %c0_i32 = arith.constant 0 : i32
    %c0_i32_0 = arith.constant 0 : i32
    %c0_i32_1 = arith.constant 0 : i32
    return %c0_i32, %c0_i32_0 : i32, i32
  }
  func.func @transform_7(%arg0: i32) -> (i32, i32) {
    %c0_i32 = arith.constant 0 : i32
    %c0_i32_0 = arith.constant 0 : i32
    return %arg0, %c0_i32 : i32, i32
  }
}

module attributes {stable_mosaic.version = 14 : i64} {
  func.func @_tc1_body(%arg0: i32, %arg1: memref<400x128xf32, #tpu.memory_space<vmem>>, %arg2: memref<400x4xf32, #tpu.memory_space<vmem>>, %arg3: memref<400x1xf32, #tpu.memory_space<vmem>>, %arg4: memref<128x128xf32, #tpu.memory_space<vmem>>, %arg5: memref<1x128xf32, #tpu.memory_space<vmem>>, %arg6: memref<4x64xf32, #tpu.memory_space<vmem>>, %arg7: memref<1x64xf32, #tpu.memory_space<vmem>>, %arg8: memref<1x64xf32, #tpu.memory_space<vmem>>, %arg9: memref<1x64xf32, #tpu.memory_space<vmem>>, %arg10: memref<128x128xf32, #tpu.memory_space<vmem>>, %arg11: memref<64x128xf32, #tpu.memory_space<vmem>>, %arg12: memref<64x128xf32, #tpu.memory_space<vmem>>, %arg13: memref<1x128xf32, #tpu.memory_space<vmem>>, %arg14: memref<128x128xf32, #tpu.memory_space<vmem>>, %arg15: memref<1x128xf32, #tpu.memory_space<vmem>>, %arg16: memref<1x128xf32, #tpu.memory_space<vmem>>, %arg17: memref<400x128xf32, #tpu.memory_space<vmem>>, %arg18: memref<400x1xf32, #tpu.memory_space<vmem>>, %arg19: memref<400x1xf32, #tpu.memory_space<vmem>>) attributes {dimension_semantics = [#tpu.dimension_semantics<arbitrary>], iteration_bounds = array<i64: 25>, scalar_prefetch = 0 : i64, scratch_operands = 0 : i64, tpu.core_type = #tpu.core_type<tc>, window_params = [{transform_indices = @transform_0, window_bounds = array<i64: 400, 128>}, {transform_indices = @transform_1, window_bounds = array<i64: 400, 4>}, {transform_indices = @transform_2, window_bounds = array<i64: 400, 1>}, {pipeline_mode = #tpu.pipeline_mode<synchronous>, transform_indices = @transform_3, window_bounds = array<i64: 128, 128>}, {pipeline_mode = #tpu.pipeline_mode<synchronous>, transform_indices = @transform_4, window_bounds = array<i64: 1, 128>}, {pipeline_mode = #tpu.pipeline_mode<synchronous>, transform_indices = @transform_5, window_bounds = array<i64: 4, 64>}, {pipeline_mode = #tpu.pipeline_mode<synchronous>, transform_indices = @transform_6, window_bounds = array<i64: 1, 64>}, {pipeline_mode = #tpu.pipeline_mode<synchronous>, transform_indices = @transform_7, window_bounds = array<i64: 1, 64>}, {pipeline_mode = #tpu.pipeline_mode<synchronous>, transform_indices = @transform_8, window_bounds = array<i64: 1, 64>}, {pipeline_mode = #tpu.pipeline_mode<synchronous>, transform_indices = @transform_9, window_bounds = array<i64: 128, 128>}, {pipeline_mode = #tpu.pipeline_mode<synchronous>, transform_indices = @transform_10, window_bounds = array<i64: 64, 128>}, {pipeline_mode = #tpu.pipeline_mode<synchronous>, transform_indices = @transform_11, window_bounds = array<i64: 64, 128>}, {pipeline_mode = #tpu.pipeline_mode<synchronous>, transform_indices = @transform_12, window_bounds = array<i64: 1, 128>}, {pipeline_mode = #tpu.pipeline_mode<synchronous>, transform_indices = @transform_13, window_bounds = array<i64: 128, 128>}, {pipeline_mode = #tpu.pipeline_mode<synchronous>, transform_indices = @transform_14, window_bounds = array<i64: 1, 128>}, {pipeline_mode = #tpu.pipeline_mode<synchronous>, transform_indices = @transform_15, window_bounds = array<i64: 1, 128>}, {transform_indices = @transform_16, window_bounds = array<i64: 400, 128>}, {transform_indices = @transform_17, window_bounds = array<i64: 400, 1>}, {transform_indices = @transform_18, window_bounds = array<i64: 400, 1>}]} {
    %get3A = arith.constant 0 : index
    %get3A_0 = arith.constant 0 : index
    %get3A_1 = vector.load %arg1[%get3A, %get3A_0] : memref<400x128xf32, #tpu.memory_space<vmem>>, vector<400x128xf32>
    %get3A_2 = arith.constant 0 : index
    %get3A_3 = arith.constant 0 : index
    %get3A_4 = vector.load %arg4[%get3A_2, %get3A_3] : memref<128x128xf32, #tpu.memory_space<vmem>>, vector<128x128xf32>
    %dot_general3A = arith.constant dense<0.000000e+00> : vector<400x128xf32>
    %dot_general3A_5 = tpu.matmul %get3A_1, %get3A_4, %dot_general3A {dimension_numbers = #tpu.dot_dimension_numbers<[1], [0], [0], [1], [0, 0, 1, 1], [], []>, transpose_lhs_hint = false} : vector<400x128xf32>, vector<128x128xf32>, vector<400x128xf32> -> vector<400x128xf32>
    %get3A_6 = arith.constant 0 : index
    %get3A_7 = arith.constant 0 : index
    %get3A_8 = vector.load %arg5[%get3A_6, %get3A_7] : memref<1x128xf32, #tpu.memory_space<vmem>>, vector<1x128xf32>
    %add3A = vector.broadcast %get3A_8 : vector<1x128xf32> to vector<400x128xf32>
    %add3A_9 = arith.addf %dot_general3A_5, %add3A : vector<400x128xf32>
    %get3A_10 = arith.constant 0 : index
    %get3A_11 = arith.constant 0 : index
    %get3A_12 = vector.load %arg2[%get3A_10, %get3A_11] : memref<400x4xf32, #tpu.memory_space<vmem>>, vector<400x4xf32>
    %get3A_13 = arith.constant 0 : index
    %get3A_14 = arith.constant 0 : index
    %get3A_15 = vector.load %arg6[%get3A_13, %get3A_14] : memref<4x64xf32, #tpu.memory_space<vmem>>, vector<4x64xf32>
    %dot_general3A_16 = arith.constant dense<0.000000e+00> : vector<400x64xf32>
    %dot_general3A_17 = tpu.matmul %get3A_12, %get3A_15, %dot_general3A_16 {dimension_numbers = #tpu.dot_dimension_numbers<[1], [0], [0], [1], [0, 0, 1, 1], [], []>, transpose_lhs_hint = false} : vector<400x4xf32>, vector<4x64xf32>, vector<400x64xf32> -> vector<400x64xf32>
    %get3A_18 = arith.constant 0 : index
    %get3A_19 = arith.constant 0 : index
    %get3A_20 = vector.load %arg7[%get3A_18, %get3A_19] : memref<1x64xf32, #tpu.memory_space<vmem>>, vector<1x64xf32>
    %add3A_21 = vector.broadcast %get3A_20 : vector<1x64xf32> to vector<400x64xf32>
    %add3A_22 = arith.addf %dot_general3A_17, %add3A_21 : vector<400x64xf32>
    %get3A_23 = arith.constant 0 : index
    %get3A_24 = arith.constant 0 : index
    %get3A_25 = vector.load %arg3[%get3A_23, %get3A_24] : memref<400x1xf32, #tpu.memory_space<vmem>>, vector<400x1xf32>
    %get3A_26 = arith.constant 0 : index
    %get3A_27 = arith.constant 0 : index
    %get3A_28 = vector.load %arg8[%get3A_26, %get3A_27] : memref<1x64xf32, #tpu.memory_space<vmem>>, vector<1x64xf32>
    %mul3A = vector.broadcast %get3A_25 : vector<400x1xf32> to vector<400x64xf32>
    %mul3A_29 = vector.broadcast %get3A_28 : vector<1x64xf32> to vector<400x64xf32>
    %mul3A_30 = arith.mulf %mul3A, %mul3A_29 : vector<400x64xf32>
    %get3A_31 = arith.constant 0 : index
    %get3A_32 = arith.constant 0 : index
    %get3A_33 = vector.load %arg9[%get3A_31, %get3A_32] : memref<1x64xf32, #tpu.memory_space<vmem>>, vector<1x64xf32>
    %add3A_34 = vector.broadcast %get3A_33 : vector<1x64xf32> to vector<400x64xf32>
    %add3A_35 = arith.addf %mul3A_30, %add3A_34 : vector<400x64xf32>
    %get3A_36 = arith.constant 0 : index
    %get3A_37 = arith.constant 0 : index
    %get3A_38 = vector.load %arg10[%get3A_36, %get3A_37] : memref<128x128xf32, #tpu.memory_space<vmem>>, vector<128x128xf32>
    %dot_general3A_39 = arith.constant dense<0.000000e+00> : vector<400x128xf32>
    %dot_general3A_40 = tpu.matmul %add3A_9, %get3A_38, %dot_general3A_39 {dimension_numbers = #tpu.dot_dimension_numbers<[1], [0], [0], [1], [0, 0, 1, 1], [], []>, transpose_lhs_hint = false} : vector<400x128xf32>, vector<128x128xf32>, vector<400x128xf32> -> vector<400x128xf32>
    %get3A_41 = arith.constant 0 : index
    %get3A_42 = arith.constant 0 : index
    %get3A_43 = vector.load %arg11[%get3A_41, %get3A_42] : memref<64x128xf32, #tpu.memory_space<vmem>>, vector<64x128xf32>
    %dot_general3A_44 = arith.constant dense<0.000000e+00> : vector<400x128xf32>
    %dot_general3A_45 = tpu.matmul %add3A_22, %get3A_43, %dot_general3A_44 {dimension_numbers = #tpu.dot_dimension_numbers<[1], [0], [0], [1], [0, 0, 1, 1], [], []>, transpose_lhs_hint = false} : vector<400x64xf32>, vector<64x128xf32>, vector<400x128xf32> -> vector<400x128xf32>
    %add3A_46 = arith.addf %dot_general3A_40, %dot_general3A_45 : vector<400x128xf32>
    %get3A_47 = arith.constant 0 : index
    %get3A_48 = arith.constant 0 : index
    %get3A_49 = vector.load %arg12[%get3A_47, %get3A_48] : memref<64x128xf32, #tpu.memory_space<vmem>>, vector<64x128xf32>
    %dot_general3A_50 = arith.constant dense<0.000000e+00> : vector<400x128xf32>
    %dot_general3A_51 = tpu.matmul %add3A_35, %get3A_49, %dot_general3A_50 {dimension_numbers = #tpu.dot_dimension_numbers<[1], [0], [0], [1], [0, 0, 1, 1], [], []>, transpose_lhs_hint = false} : vector<400x64xf32>, vector<64x128xf32>, vector<400x128xf32> -> vector<400x128xf32>
    %add3A_52 = arith.addf %add3A_46, %dot_general3A_51 : vector<400x128xf32>
    %get3A_53 = arith.constant 0 : index
    %get3A_54 = arith.constant 0 : index
    %get3A_55 = vector.load %arg13[%get3A_53, %get3A_54] : memref<1x128xf32, #tpu.memory_space<vmem>>, vector<1x128xf32>
    %add3A_56 = vector.broadcast %get3A_55 : vector<1x128xf32> to vector<400x128xf32>
    %add3A_57 = arith.addf %add3A_52, %add3A_56 : vector<400x128xf32>
    %max3A = arith.constant 0.000000e+00 : f32
    %max3A_58 = vector.broadcast %max3A : f32 to vector<400x128xf32>
    %max3A_59 = arith.maximumf %add3A_57, %max3A_58 : vector<400x128xf32>
    %get3A_60 = arith.constant 0 : index
    %get3A_61 = arith.constant 0 : index
    %get3A_62 = vector.load %arg14[%get3A_60, %get3A_61] : memref<128x128xf32, #tpu.memory_space<vmem>>, vector<128x128xf32>
    %dot_general3A_63 = arith.constant dense<0.000000e+00> : vector<400x128xf32>
    %dot_general3A_64 = tpu.matmul %max3A_59, %get3A_62, %dot_general3A_63 {dimension_numbers = #tpu.dot_dimension_numbers<[1], [0], [0], [1], [0, 0, 1, 1], [], []>, transpose_lhs_hint = false} : vector<400x128xf32>, vector<128x128xf32>, vector<400x128xf32> -> vector<400x128xf32>
    %swap3A = arith.constant 0 : index
    %swap3A_65 = arith.constant 0 : index
    %swap3A_66 = vector.load %arg17[%swap3A, %swap3A_65] : memref<400x128xf32, #tpu.memory_space<vmem>>, vector<400x128xf32>
    tpu.vector_store %arg17[%swap3A, %swap3A_65], %dot_general3A_64 {strides = array<i32>} : memref<400x128xf32, #tpu.memory_space<vmem>>, vector<400x128xf32>,
    %get3A_67 = arith.constant 0 : index
    %get3A_68 = arith.constant 0 : index
    %get3A_69 = vector.load %arg15[%get3A_67, %get3A_68] : memref<1x128xf32, #tpu.memory_space<vmem>>, vector<1x128xf32>
    %mul3A_70 = vector.broadcast %get3A_69 : vector<1x128xf32> to vector<400x128xf32>
    %mul3A_71 = arith.mulf %dot_general3A_64, %mul3A_70 : vector<400x128xf32>
    %reduce_sum3A = arith.constant dense<0.000000e+00> : vector<400xf32>
    %reduce_sum3A_72 = vector.multi_reduction <add>, %mul3A_71, %reduce_sum3A [1] : vector<400x128xf32> to vector<400xf32>
    %broadcast_in_dim3A = vector.shape_cast %reduce_sum3A_72 : vector<400xf32> to vector<400x1xf32>
    %swap3A_73 = arith.constant 0 : index
    %swap3A_74 = arith.constant 0 : index
    %swap3A_75 = vector.load %arg18[%swap3A_73, %swap3A_74] : memref<400x1xf32, #tpu.memory_space<vmem>>, vector<400x1xf32>
    tpu.vector_store %arg18[%swap3A_73, %swap3A_74], %broadcast_in_dim3A {strides = array<i32>} : memref<400x1xf32, #tpu.memory_space<vmem>>, vector<400x1xf32>,
    %get3A_76 = arith.constant 0 : index
    %get3A_77 = arith.constant 0 : index
    %get3A_78 = vector.load %arg16[%get3A_76, %get3A_77] : memref<1x128xf32, #tpu.memory_space<vmem>>, vector<1x128xf32>
    %mul3A_79 = vector.broadcast %get3A_78 : vector<1x128xf32> to vector<400x128xf32>
    %mul3A_80 = arith.mulf %dot_general3A_64, %mul3A_79 : vector<400x128xf32>
    %reduce_sum3A_81 = arith.constant dense<0.000000e+00> : vector<400xf32>
    %reduce_sum3A_82 = vector.multi_reduction <add>, %mul3A_80, %reduce_sum3A_81 [1] : vector<400x128xf32> to vector<400xf32>
    %broadcast_in_dim3A_83 = vector.shape_cast %reduce_sum3A_82 : vector<400xf32> to vector<400x1xf32>
    %swap3A_84 = arith.constant 0 : index
    %swap3A_85 = arith.constant 0 : index
    %swap3A_86 = vector.load %arg19[%swap3A_84, %swap3A_85] : memref<400x1xf32, #tpu.memory_space<vmem>>, vector<400x1xf32>
    tpu.vector_store %arg19[%swap3A_84, %swap3A_85], %broadcast_in_dim3A_83 {strides = array<i32>} : memref<400x1xf32, #tpu.memory_space<vmem>>, vector<400x1xf32>,
    return
  }
  func.func @transform_0(%arg0: i32) -> (i32, i32) {
    %c0_i32 = arith.constant 0 : i32
    %c0_i32_0 = arith.constant 0 : i32
    return %arg0, %c0_i32 : i32, i32
  }
  func.func @transform_1(%arg0: i32) -> (i32, i32) {
    %c0_i32 = arith.constant 0 : i32
    %c0_i32_0 = arith.constant 0 : i32
    return %arg0, %c0_i32 : i32, i32
  }
  func.func @transform_2(%arg0: i32) -> (i32, i32) {
    %c0_i32 = arith.constant 0 : i32
    %c0_i32_0 = arith.constant 0 : i32
    return %arg0, %c0_i32 : i32, i32
  }
  func.func @transform_3(%arg0: i32) -> (i32, i32) {
    %c0_i32 = arith.constant 0 : i32
    %c0_i32_0 = arith.constant 0 : i32
    %c0_i32_1 = arith.constant 0 : i32
    return %c0_i32, %c0_i32_0 : i32, i32
  }
  func.func @transform_4(%arg0: i32) -> (i32, i32) {
    %c0_i32 = arith.constant 0 : i32
    %c0_i32_0 = arith.constant 0 : i32
    %c0_i32_1 = arith.constant 0 : i32
    return %c0_i32, %c0_i32_0 : i32, i32
  }
  func.func @transform_5(%arg0: i32) -> (i32, i32) {
    %c0_i32 = arith.constant 0 : i32
    %c0_i32_0 = arith.constant 0 : i32
    %c0_i32_1 = arith.constant 0 : i32
    return %c0_i32, %c0_i32_0 : i32, i32
  }
  func.func @transform_6(%arg0: i32) -> (i32, i32) {
    %c0_i32 = arith.constant 0 : i32
    %c0_i32_0 = arith.constant 0 : i32
    %c0_i32_1 = arith.constant 0 : i32
    return %c0_i32, %c0_i32_0 : i32, i32
  }
  func.func @transform_7(%arg0: i32) -> (i32, i32) {
    %c0_i32 = arith.constant 0 : i32
    %c0_i32_0 = arith.constant 0 : i32
    %c0_i32_1 = arith.constant 0 : i32
    return %c0_i32, %c0_i32_0 : i32, i32
  }
  func.func @transform_8(%arg0: i32) -> (i32, i32) {
    %c0_i32 = arith.constant 0 : i32
    %c0_i32_0 = arith.constant 0 : i32
    %c0_i32_1 = arith.constant 0 : i32
    return %c0_i32, %c0_i32_0 : i32, i32
  }
  func.func @transform_9(%arg0: i32) -> (i32, i32) {
    %c0_i32 = arith.constant 0 : i32
    %c0_i32_0 = arith.constant 0 : i32
    %c0_i32_1 = arith.constant 0 : i32
    return %c0_i32, %c0_i32_0 : i32, i32
  }
  func.func @transform_10(%arg0: i32) -> (i32, i32) {
    %c0_i32 = arith.constant 0 : i32
    %c0_i32_0 = arith.constant 0 : i32
    %c0_i32_1 = arith.constant 0 : i32
    return %c0_i32, %c0_i32_0 : i32, i32
  }
  func.func @transform_11(%arg0: i32) -> (i32, i32) {
    %c0_i32 = arith.constant 0 : i32
    %c0_i32_0 = arith.constant 0 : i32
    %c0_i32_1 = arith.constant 0 : i32
    return %c0_i32, %c0_i32_0 : i32, i32
  }
  func.func @transform_12(%arg0: i32) -> (i32, i32) {
    %c0_i32 = arith.constant 0 : i32
    %c0_i32_0 = arith.constant 0 : i32
    %c0_i32_1 = arith.constant 0 : i32
    return %c0_i32, %c0_i32_0 : i32, i32
  }
  func.func @transform_13(%arg0: i32) -> (i32, i32) {
    %c0_i32 = arith.constant 0 : i32
    %c0_i32_0 = arith.constant 0 : i32
    %c0_i32_1 = arith.constant 0 : i32
    return %c0_i32, %c0_i32_0 : i32, i32
  }
  func.func @transform_14(%arg0: i32) -> (i32, i32) {
    %c0_i32 = arith.constant 0 : i32
    %c0_i32_0 = arith.constant 0 : i32
    %c0_i32_1 = arith.constant 0 : i32
    return %c0_i32, %c0_i32_0 : i32, i32
  }
  func.func @transform_15(%arg0: i32) -> (i32, i32) {
    %c0_i32 = arith.constant 0 : i32
    %c0_i32_0 = arith.constant 0 : i32
    %c0_i32_1 = arith.constant 0 : i32
    return %c0_i32, %c0_i32_0 : i32, i32
  }
  func.func @transform_16(%arg0: i32) -> (i32, i32) {
    %c0_i32 = arith.constant 0 : i32
    %c0_i32_0 = arith.constant 0 : i32
    return %arg0, %c0_i32 : i32, i32
  }
  func.func @transform_17(%arg0: i32) -> (i32, i32) {
    %c0_i32 = arith.constant 0 : i32
    %c0_i32_0 = arith.constant 0 : i32
    return %arg0, %c0_i32 : i32, i32
  }
  func.func @transform_18(%arg0: i32) -> (i32, i32) {
    %c0_i32 = arith.constant 0 : i32
    %c0_i32_0 = arith.constant 0 : i32
    return %arg0, %c0_i32 : i32, i32
  }
}

module attributes {stable_mosaic.version = 14 : i64} {
  func.func @_dreduce_body(%arg0: memref<32x10000xf32, #tpu.memory_space<vmem>>, %arg1: memref<1x10000xf32, #tpu.memory_space<vmem>>) attributes {dimension_semantics = [], scalar_prefetch = 0 : i64, scratch_operands = 0 : i64, tpu.core_type = #tpu.core_type<tc>} {
    %get3A = arith.constant 0 : index
    %get3A_0 = arith.constant 0 : index
    %get3A_1 = vector.load %arg0[%get3A, %get3A_0] : memref<32x10000xf32, #tpu.memory_space<vmem>>, vector<32x10000xf32>
    %reduce_sum3A = arith.constant dense<0.000000e+00> : vector<10000xf32>
    %reduce_sum3A_2 = vector.multi_reduction <add>, %get3A_1, %reduce_sum3A [0] : vector<32x10000xf32> to vector<10000xf32>
    %broadcast_in_dim3A = vector.shape_cast %reduce_sum3A_2 : vector<10000xf32> to vector<1x10000xf32>
    %add3A = arith.constant 1.000000e-16 : f32
    %add3A_3 = vector.broadcast %add3A : f32 to vector<1x10000xf32>
    %add3A_4 = arith.addf %broadcast_in_dim3A, %add3A_3 : vector<1x10000xf32>
    %div3A = arith.constant 1.000000e+00 : f32
    %div3A_5 = vector.broadcast %div3A : f32 to vector<1x10000xf32>
    %div3A_6 = arith.divf %div3A_5, %add3A_4 : vector<1x10000xf32>
    %swap3A = arith.constant 0 : index
    %swap3A_7 = arith.constant 0 : index
    %swap3A_8 = vector.load %arg1[%swap3A, %swap3A_7] : memref<1x10000xf32, #tpu.memory_space<vmem>>, vector<1x10000xf32>
    tpu.vector_store %arg1[%swap3A, %swap3A_7], %div3A_6 {strides = array<i32>} : memref<1x10000xf32, #tpu.memory_space<vmem>>, vector<1x10000xf32>,
    return
  }
}

module attributes {stable_mosaic.version = 14 : i64} {
  func.func @_tc3_body(%arg0: memref<32x10000xf32, #tpu.memory_space<vmem>>, %arg1: memref<10000x128xf32, #tpu.memory_space<vmem>>, %arg2: memref<10000x1xi32, #tpu.memory_space<vmem>>, %arg3: memref<1x128xf32, #tpu.memory_space<vmem>>, %arg4: memref<128x64xf32, #tpu.memory_space<vmem>>, %arg5: memref<1x64xf32, #tpu.memory_space<vmem>>, %arg6: memref<64x1xf32, #tpu.memory_space<vmem>>, %arg7: memref<1x1xf32, #tpu.memory_space<vmem>>, %arg8: memref<32x1xf32, #tpu.memory_space<vmem>>) attributes {dimension_semantics = [], scalar_prefetch = 0 : i64, scratch_operands = 0 : i64, tpu.core_type = #tpu.core_type<tc>} {
    %get3A = arith.constant 0 : index
    %get3A_0 = arith.constant 0 : index
    %get3A_1 = vector.load %arg0[%get3A, %get3A_0] : memref<32x10000xf32, #tpu.memory_space<vmem>>, vector<32x10000xf32>
    %get3A_2 = arith.constant 0 : index
    %get3A_3 = arith.constant 0 : index
    %get3A_4 = vector.load %arg1[%get3A_2, %get3A_3] : memref<10000x128xf32, #tpu.memory_space<vmem>>, vector<10000x128xf32>
    %dot_general3A = arith.constant dense<0.000000e+00> : vector<32x128xf32>
    %dot_general3A_5 = tpu.matmul %get3A_1, %get3A_4, %dot_general3A {dimension_numbers = #tpu.dot_dimension_numbers<[1], [0], [0], [1], [0, 0, 1, 1], [], []>, transpose_lhs_hint = false} : vector<32x10000xf32>, vector<10000x128xf32>, vector<32x128xf32> -> vector<32x128xf32>
    %iota3A = tpu.iota {dimensions = array<i32: 1>} : vector<10000x32xi32>
    %get3A_6 = arith.constant 0 : index
    %get3A_7 = arith.constant 0 : index
    %get3A_8 = vector.load %arg2[%get3A_6, %get3A_7] : memref<10000x1xi32, #tpu.memory_space<vmem>>, vector<10000x1xi32>
    %eq3A = vector.broadcast %get3A_8 : vector<10000x1xi32> to vector<10000x32xi32>
    %eq3A_9 = arith.cmpi eq, %eq3A, %iota3A : vector<10000x32xi32>
    %convert_element_type3A = arith.extui %eq3A_9 : vector<10000x32xi1> to vector<10000x32xi32>
    %convert_element_type3A_10 = arith.sitofp %convert_element_type3A : vector<10000x32xi32> to vector<10000x32xf32>
    %reduce_sum3A = arith.constant dense<0.000000e+00> : vector<32xf32>
    %reduce_sum3A_11 = vector.multi_reduction <add>, %convert_element_type3A_10, %reduce_sum3A [0] : vector<10000x32xf32> to vector<32xf32>
    %reshape3A = vector.shape_cast %reduce_sum3A_11 : vector<32xf32> to vector<32x1xf32>
    %get3A_12 = arith.constant 0 : index
    %get3A_13 = arith.constant 0 : index
    %get3A_14 = vector.load %arg3[%get3A_12, %get3A_13] : memref<1x128xf32, #tpu.memory_space<vmem>>, vector<1x128xf32>
    %mul3A = vector.broadcast %reshape3A : vector<32x1xf32> to vector<32x128xf32>
    %mul3A_15 = vector.broadcast %get3A_14 : vector<1x128xf32> to vector<32x128xf32>
    %mul3A_16 = arith.mulf %mul3A, %mul3A_15 : vector<32x128xf32>
    %add3A = arith.addf %dot_general3A_5, %mul3A_16 : vector<32x128xf32>
    %max3A = arith.constant 1.000000e+00 : f32
    %max3A_17 = vector.broadcast %max3A : f32 to vector<32x1xf32>
    %max3A_18 = arith.maximumf %reshape3A, %max3A_17 : vector<32x1xf32>
    %div3A = vector.broadcast %max3A_18 : vector<32x1xf32> to vector<32x128xf32>
    %div3A_19 = arith.divf %add3A, %div3A : vector<32x128xf32>
    %max3A_20 = arith.constant 0.000000e+00 : f32
    %max3A_21 = vector.broadcast %max3A_20 : f32 to vector<32x128xf32>
    %max3A_22 = arith.maximumf %div3A_19, %max3A_21 : vector<32x128xf32>
    %get3A_23 = arith.constant 0 : index
    %get3A_24 = arith.constant 0 : index
    %get3A_25 = vector.load %arg4[%get3A_23, %get3A_24] : memref<128x64xf32, #tpu.memory_space<vmem>>, vector<128x64xf32>
    %dot_general3A_26 = arith.constant dense<0.000000e+00> : vector<32x64xf32>
    %dot_general3A_27 = tpu.matmul %max3A_22, %get3A_25, %dot_general3A_26 {dimension_numbers = #tpu.dot_dimension_numbers<[1], [0], [0], [1], [0, 0, 1, 1], [], []>, transpose_lhs_hint = false} : vector<32x128xf32>, vector<128x64xf32>, vector<32x64xf32> -> vector<32x64xf32>
    %get3A_28 = arith.constant 0 : index
    %get3A_29 = arith.constant 0 : index
    %get3A_30 = vector.load %arg5[%get3A_28, %get3A_29] : memref<1x64xf32, #tpu.memory_space<vmem>>, vector<1x64xf32>
    %add3A_31 = vector.broadcast %get3A_30 : vector<1x64xf32> to vector<32x64xf32>
    %add3A_32 = arith.addf %dot_general3A_27, %add3A_31 : vector<32x64xf32>
    %max3A_33 = arith.constant 0.000000e+00 : f32
    %max3A_34 = vector.broadcast %max3A_33 : f32 to vector<32x64xf32>
    %max3A_35 = arith.maximumf %add3A_32, %max3A_34 : vector<32x64xf32>
    %get3A_36 = arith.constant 0 : index
    %get3A_37 = arith.constant 0 : index
    %get3A_38 = vector.load %arg6[%get3A_36, %get3A_37] : memref<64x1xf32, #tpu.memory_space<vmem>>, vector<64x1xf32>
    %dot_general3A_39 = arith.constant dense<0.000000e+00> : vector<32x1xf32>
    %dot_general3A_40 = tpu.matmul %max3A_35, %get3A_38, %dot_general3A_39 {dimension_numbers = #tpu.dot_dimension_numbers<[1], [0], [0], [1], [0, 0, 1, 1], [], []>, transpose_lhs_hint = false} : vector<32x64xf32>, vector<64x1xf32>, vector<32x1xf32> -> vector<32x1xf32>
    %get3A_41 = arith.constant 0 : index
    %get3A_42 = arith.constant 0 : index
    %get3A_43 = vector.load %arg7[%get3A_41, %get3A_42] : memref<1x1xf32, #tpu.memory_space<vmem>>, vector<1x1xf32>
    %add3A_44 = vector.broadcast %get3A_43 : vector<1x1xf32> to vector<32x1xf32>
    %add3A_45 = arith.addf %dot_general3A_40, %add3A_44 : vector<32x1xf32>
    %swap3A = arith.constant 0 : index
    %swap3A_46 = arith.constant 0 : index
    %swap3A_47 = vector.load %arg8[%swap3A, %swap3A_46] : memref<32x1xf32, #tpu.memory_space<vmem>>, vector<32x1xf32>
    tpu.vector_store %arg8[%swap3A, %swap3A_46], %add3A_45 {strides = array<i32>} : memref<32x1xf32, #tpu.memory_space<vmem>>, vector<32x1xf32>,
    return
  }
}

</mosaic_0001>

<sc_bundles>
// kernel: kernel.11.cloned.1.call-start
scs
__scs_entry_jumppad:
0x0: {  	(pc) =	sbr.rel $0x88, $3  }
0x1: {  	(tag) =	ssettag $0x0;
	lr =	simm.s32 $0x1  }
0x2: {  	[smem:$0x3F85] =	sst lr;
	_ =	strace $0xD0000000  }
0x3: {  	_ = 	snop  }
0x4: {  	_ = 	snop  }
0x5: {  	_ = 	snop  }
0x6: {  	_ = 	snop  }
0x7: {  	_ = 	snop  }
__scs_overlays_trampoline_lowered:
0x8: {  	[smem:$0x3F94] =	sst s0  }
0x9: {  	[smem:$0x3F95] =	sst s1  }
0xa: {  	[smem:$0x3F96] =	sst s2  }
0xb: {  	[smem:$0x3F97] =	sst s3  }
0xc: {  	[smem:$0x3F98] =	sst s4  }
0xd: {  	[smem:$0x3F99] =	sst s5  }
0xe: {  	[smem:$0x3F9A] =	sst s6  }
0xf: {  	[smem:$0x3F9B] =	sst s7  }
0x10: {  	[smem:$0x3F9C] =	sst s8  }
0x11: {  	[smem:$0x3F9D] =	sst s9;
	s0 =	simm.s32 @!p0 $0x0  }
0x12: {  	s1 =	sld [smem:$0x3F83];
	s0 =	simm.s32 @p0 $0x1  }
0x13: {  	[smem:$0x3F9E] =	sst s0;
	s0 =	simm.s32 @!p1 $0x0  }
0x14: {  	s2 =	sld [smem:$0x3F82];
	s0 =	simm.s32 @p1 $0x1  }
0x15: {  	[smem:$0x3F9F] =	sst s0;
	s0 =	simm.s32 @!p2 $0x0  }
0x16: {  	s3 =	sld [smem:$0x3FDB];
	s0 =	simm.s32 @p2 $0x1  }
0x17: {  	s4 =	simm.s32 $0x1BF5;
	[smem:$0x3FA1] =	sst s0  }
0x18: {  	s0 =	sld [smem:$0x3F84];
	_ =	swait.ge [sflag:s4], $0x0  }
0x19: {  	s7 =	sld [smem:$0x3F85]  }
0x1a: {  	s8 =	sadd.s32 $0xFFFFE003, lr  }
0x1b: {  	s9 =	sadd.s32 $0xFFFFFEF7, lr;
	s5 =	simm.s32 $0xFFFFFFFF;
	p2 =	slt.u32 s8, $0xFFFFF086  }
0x1c: {  	p1 =	slt.u32 s9, $0xF7A;
	s5 =	simm.s32 @!p2 $0x0  }
0x1d: {  	s5 =	simm.s32 @p1 $0x1;
	p0 =	seq.s32 s7, s2  }
0x1e: {  	s7 =	smul.u32 @!p0 $0xF7A, s2;
	p2 =	seq.s32 @!p0 s5, $0x0  }
0x1f: {  	s9 =	smul.u32 $0xF7A, s1;
	s8 =	simm.s32 @!p0 $0x1BF5;
	p2 =	por !p2, p0  }
0x20: {  	[sflag:s8] =	ssyncset.s32 @!p0 $0xFFFFF086;
	s6 =	sadd.s32 @!p0 s3, s7;
	s7 =	simm.s32 @!p0 $0x108  }
0x21: {  	s3 =	sadd.s32 s3, s9;
	s6 =	sadd.s32 @!p0 $0x88, s6;
	s7 =	simm.s32 @p2 $0x1082  }
0x22: {  	[simem:s7], [sflag:s8] =	dma.local @!p0 [hbm:s6], $0xF7A  }
0x23: {  	s9 =	sor.u32 $0xD0000000, s2;
	s6 =	simm.s32 $0x108;
	_ =	swait.ge @!p0 [sflag:s8], $0x0  }
0x24: {  	s3 =	sadd.s32 $0x88, s3;
	s6 =	simm.s32 @!p1 $0x1082;
	[sflag:s4] =	ssyncset.s32 $0xFFFFF086  }
0x25: {  	[simem:s6], [sflag:s4] =	dma.local [hbm:s3], $0xF7A  }
0x26: {  	[smem:$0x3F85] =	sst s1;
	(tag) =	ssettag s2;
	_ =	strace s9  }
0x27: {  	s1 =	sld [smem:$0x3F95]  }
0x28: {  	s2 =	sld [smem:$0x3F96]  }
0x29: {  	s4 =	sld [smem:$0x3F98]  }
0x2a: {  	p0 =	seq.s32 s5, $0x0;
	s5 =	sld [smem:$0x3F99]  }
0x2b: {  	s6 =	sld [smem:$0x3F9A]  }
0x2c: {  	s7 =	sld [smem:$0x3F9B]  }
0x2d: {  	s3 =	simm.s32 $0x108;
	s8 =	sld [smem:$0x3F9C]  }
0x2e: {  	s3 =	simm.s32 @!p0 $0x1082;
	s9 =	sld [smem:$0x3F9D]  }
0x2f: {  	lr =	sadd.s32 s0, s3;
	s0 =	sld [smem:$0x3F94]  }
0x30: {  	s3 =	sld [smem:$0x3F97]  }
0x31: {  	[smem:$0x3FA0] =	sst s10  }
0x32: {  	s10 =	sld [smem:$0x3F9E];
	_ =	sdelay $0x3  }
0x33: {  	p0 =	seq.s32 s10, $0x1;
	s10 =	sld [smem:$0x3FA0];
	_ =	sdelay $0x3  }
0x34: {  	[smem:$0x3FA0] =	sst s10  }
0x35: {  	s10 =	sld [smem:$0x3F9F];
	_ =	sdelay $0x3  }
0x36: {  	p1 =	seq.s32 s10, $0x1;
	s10 =	sld [smem:$0x3FA0];
	_ =	sdelay $0x3  }
0x37: {  	[smem:$0x3FA0] =	sst s10  }
0x38: {  	s10 =	sld [smem:$0x3FA1]  }
0x39: {  	_ = 	snop;
	(pc) =	sbr.ind lr, $3  }
0x3a: {  	_ = 	snop  }
0x3b: {  	_ = 	snop  }
0x3c: {  	p2 =	seq.s32 s10, $0x1;
	s10 =	sld [smem:$0x3FA0]  }
0x3d: {  	_ =	shalt  }
0x3e: {  	_ =	shalt  }
0x3f: {  	_ =	shalt  }
0x40: {  	_ =	shalt  }
0x41: {  	_ =	shalt  }
0x42: {  	_ =	shalt  }
0x43: {  	_ =	shalt  }
0x44: {  	_ =	shalt  }
0x45: {  	_ =	shalt  }
0x46: {  	_ =	shalt  }
0x47: {  	_ =	shalt  }
0x48: {  	_ =	shalt  }
0x49: {  	_ =	shalt  }
0x4a: {  	_ =	shalt  }
0x4b: {  	_ =	shalt  }
0x4c: {  	_ =	shalt  }
0x4d: {  	_ =	shalt  }
0x4e: {  	_ =	shalt  }
0x4f: {  	_ =	shalt  }
0x50: {  	_ =	shalt  }
0x51: {  	_ =	shalt  }
0x52: {  	_ =	shalt  }
0x53: {  	_ =	shalt  }
0x54: {  	_ =	shalt  }
0x55: {  	_ =	shalt  }
0x56: {  	_ =	shalt  }
0x57: {  	_ =	shalt  }
0x58: {  	_ =	shalt  }
0x59: {  	_ =	shalt  }
0x5a: {  	_ =	shalt  }
0x5b: {  	_ =	shalt  }
0x5c: {  	_ =	shalt  }
0x5d: {  	_ =	shalt  }
0x5e: {  	_ =	shalt  }
0x5f: {  	_ =	shalt  }
0x60: {  	_ =	shalt  }
0x61: {  	_ =	shalt  }
0x62: {  	_ =	shalt  }
0x63: {  	_ =	shalt  }
0x64: {  	_ =	shalt  }
0x65: {  	_ =	shalt  }
0x66: {  	_ =	shalt  }
0x67: {  	_ =	shalt  }
0x68: {  	_ =	shalt  }
0x69: {  	_ =	shalt  }
0x6a: {  	_ =	shalt  }
0x6b: {  	_ =	shalt  }
0x6c: {  	_ =	shalt  }
0x6d: {  	_ =	shalt  }
0x6e: {  	_ =	shalt  }
0x6f: {  	_ =	shalt  }
0x70: {  	_ =	shalt  }
0x71: {  	_ =	shalt  }
0x72: {  	_ =	shalt  }
0x73: {  	_ =	shalt  }
0x74: {  	_ =	shalt  }
0x75: {  	_ =	shalt  }
0x76: {  	_ =	shalt  }
0x77: {  	_ =	shalt  }
0x78: {  	_ =	shalt  }
0x79: {  	_ =	shalt  }
0x7a: {  	_ =	shalt  }
0x7b: {  	_ =	shalt  }
0x7c: {  	_ =	shalt  }
0x7d: {  	_ =	shalt  }
0x7e: {  	_ =	shalt  }
0x7f: {  	_ =	shalt  }
0x80: {  	_ =	shalt  }
0x81: {  	_ =	shalt  }
0x82: {  	_ =	shalt  }
0x83: {  	_ =	shalt  }
0x84: {  	_ =	shalt  }
0x85: {  	_ =	shalt  }
0x86: {  	_ =	shalt  }
0x87: {  	_ =	shalt  }
.Lfunc_end0:
.L_simem_size_0:
called_computation.1_lowered:
.L_overlay_start_0:
0x88: {  	s2 =	sld [smem:$0x3FD9]  }
0x89: {  	s3 =	sld [smem:$0x3FFE];
	_ =	sdelay $0x1  }
0x8a: {  	s1 =	srdreg.scid  }
0x8b: {  	s0 =	sand.u32 $0x1, s1  }
0x8c: {  	s17 =	sshll.u32 s0, $0xA;
	s2 =	sadd.s32 s3, s2  }
0x8d: {  	s2 =	sadd.s32 s2, s17  }
0x8e: {  	[smem:$0x3FAC] =	sst s2  }
0x8f: {  	_ = 	snop  }
0x90: {  	s2 =	sld [smem:$0x3FC4];
	(tm) =	ssettm $0x1  }
0x91: {  	s18 =	sld [smem:$0x3FFB];
	_ =	sdelay $0x3  }
0x92: {  	_ =	strace s18  }
0x93: {  	s3 =	sld [smem:$0x3FFC];
	_ =	sdelay $0x3  }
0x94: {  	_ =	strace s3  }
0x95: {  	s3 =	sld [smem:$0x3FFD];
	_ =	sdelay $0x3  }
0x96: {  	_ =	strace s3  }
0x97: {  	_ =	strace $0x8FFFFFFF  }
0x98: {  	s19 =	sld [smem:$0x3FDB];
	_ =	sdelay $0x1  }
0x99: {  	s4 =	simm.s32 $_scs_section_size  }
0x9a: {  	s5 =	simm.s32 $_size__tile_overlayer_lowered;
	s6 =	simm.s32 $_tile_overlayer_lowered  }
0x9b: {  	s22 =	simm.s32 $0x1BFF;
	s21 =	sshll.u32 s6, $0x1;
	s3 =	sadd.s32 s4, s19  }
0x9c: {  	s7 =	simm.s32 $0x0;
	s20 =	sshll.u32 s5, $0x1;
	s5 =	sadd.s32 s21, s3  }
0x9d: {  	[timem:s7], [sflag:s22] =	dma.local [hbm:s5], s20  }
0x9e: {  	_ =	swait.ge [sflag:s22], s20  }
0x9f: {  	s4 =	ssub.s32 $0x0, s20;
	[sflag:s22] =	ssyncset.done $0x0  }
0xa0: {  	[sflag:s22] =	ssyncadd.s32 s4;
	_ =	sdelay $0x1  }
0xa1: {  	s23 =	simm.s32 $0x1B8B  }
0xa2: {  	_ =	swait.ge [sflag:s23], $0x1  }
0xa3: {  	[sflag:s23] =	ssyncset.done $0x0  }
0xa4: {  	s25 =	simm.s32 $0x1B8E;
	s24 =	sld [smem:$0x3FFE];
	[sflag:s23] =	ssyncadd.s32 $0xFFFFFFFF  }
0xa5: {  	s26 =	simm.s32 $execute0_lowered;
	[smem:$0x3FD2] =	sst s25  }
0xa6: {  	s5 =	sshll.u32 s26, $0x1;
	_ =	strace $0x80000049;
	[dreg:$0x1] =	wrdreg $0xFFFFFFFF  }
0xa7: {  	s28 =	simm.s32 $_size_execute0_lowered;
	s3 =	sadd.s32 s3, s5;
	[dreg:$0x0] =	wrdreg $0x0  }
0xa8: {  	s5 =	sshll.u32 s28, $0x1;
	[dreg:$0x2] =	wrdreg s3  }
0xa9: {  	[dreg:$0x3] =	wrdreg s5  }
0xaa: {  	[dreg:$0x4] =	wrdreg $0xC0  }
0xab: {  	_ =	task [dreg:s7], $0x5FFFF  }
0xac: {  	[dreg:$0x1] =	wrdreg $0xFFFFFFFF  }
0xad: {  	[dreg:$0x0] =	wrdreg $0x60  }
0xae: {  	[dreg:$0x2] =	wrdreg s24  }
0xaf: {  	[dreg:$0x3] =	wrdreg s2  }
0xb0: {  	[dreg:$0x4] =	wrdreg $0x9  }
0xb1: {  	_ =	task.clear_ibuf [dreg:s7], $0x5FFFF;
	_ =	strace $0x90000049  }
0xb2: {  	s29 =	simm.s32 $0x9;
	_ =	strace $0x8000004B  }
0xb3: {  	_ =	swait.ge [sflag:s29], $0x1  }
0xb4: {  	[sflag:s29] =	ssyncadd.s32 $0xFFFFFFFF  }
0xb5: {  	_ =	strace $0x9000004B  }
0xb6: {  	_ =	sfence  }
0xb7: {  	s30 =	sld [smem:$0x0];
	_ =	sdelay $0x2  }
0xb8: {  	s31 =	sshll.u32 s1, $0xD;
	s1 =	sshrl.u32 s1, $0x2  }
0xb9: {  	s3 =	sand.u32 $0x4000, s31;
	s1 =	sadd.s32 s1, s30  }
0xba: {  	s0 =	sor.u32 s3, s0;
	s1 =	sshll.u32 s1, $0x11  }
0xbb: {  	s0 =	sor.u32 s1, s0  }
0xbc: {  	s0 =	sadd.s32 $0x8F2B, s0  }
0xbd: {  	[sflag:s0] =	ssyncadd.remote.s32 $0x1  }
0xbe: {  	_ =	sfence.sel $0xFFFF  }
0xbf: {  	[dreg:$0x0] =	wrdreg $0xFFFFFFFF;
	(pc) =	sbr.abs _section_cstart, $3  }
0xc0: {  	[dreg:$0x1] =	wrdreg $0xFFFFFFFF  }
0xc1: {  	_ =	task.clear_ibuf [dreg:s7], $0x2FFFF;
	_ =	strace $0x9FFFFFFF  }
0xc2: {  	(tm) =	ssettm $0x7FFFFFFF  }
0xc3: {  	_ =	shalt  }
tec
execute0_lowered:
.L_overlay_start_1:
0x0: {  	(tag) =	ssettag $0x1  }
0x1: {  	s7 =	rddreg [dreg:$0x0]  }
0x2: {  	s2 =	rddreg [dreg:$0x1];
	s3 =	srdreg.scid  }
0x3: {  	s1 =	stileid.u32;
	s0 =	rddreg [dreg:$0x2];
	s11 =	simm.s32 $0x2780  }
0x4: {  	s12 =	simm.s32 $0x7680;
	s13 =	simm.s32 $0x9E00;
	s14 =	simm.s32 $0xC580  }
0x5: {  	s15 =	simm.s32 $0x4F00;
	s17 =	simm.s32 $0x400;
	s18 =	simm.s32 $0x0  }
0x6: {  	s5 =	sand.u32 $0x1, s3;
	s4 =	sshll.u32 s1, $0x1;
	s3 =	simm.s32 $0x0  }
0x7: {  	s29 =	sshrl.u32 s1, $0x2;
	s16 =	sor.u32 s5, s4;
	[smem:$0x7FF] =	sst s3  }
0x8: {  	s6 =	smul.u32 $0x13C00, s29;
	s4 =	sadd.s32 $0xDE00, s7;
	s30 =	sshll.u32 s16, $0x7  }
0x9: {  	s31 =	ssub.s32 $0x2, s5;
	s5 =	sadd.s32 $0x4000, s7;
	s8 =	sand.u32 $0x380, s30  }
0xa: {  	_ =	strace $0x8000004A;
	s10 =	sshrl.u32 s31, $0x1;
	s6 =	sor.u32 s6, s8  }
0xb: {  	v0 =	vmov s16;
	s16 =	simm.s32 $0x80;
	s10 =	ssub.s32 s31, s10;
	s9 =	sshrl.u32 s6, $0x3  }
0xc: {  	s6 =	sadd.s32 $0x2B800, s7;
	s9 =	sadd.s32 s9, s7;
	s7 =	sadd.s32 $0x3000, s7  }
0xd: {  	v1 =	vimm.f32 $0.0e+00;
	s8 =	sadd.s32 $0x17C00, s9;
	s9 =	smax.u32 s10, $0x1;
	s10 =	simm.s32 $0x1  }
.LBB2_1:
0xe: {  	[tilespmem:s3], [sflag:$0x1] =	stream.linear.gather [hbm4b:s2+s3], $0x2780, $0x38;
	[tilespmem:$0xED00] =	vst v63  }
0xf: {  	_ =	swait.ge [sflag:s10], $0x2780  }
0x10: {  	[sflag:s10] =	ssyncset.done $0x0  }
0x11: {  	[sflag:s10] =	ssyncadd.s32 $0xFFFFD880  }
0x12: {  	[tilespmem:s11], [sflag:$0x1] =	stream.linear.gather [hbm4b:s7+s3], $0x2780, $0x38;
	[tilespmem:$0xED00] =	vst v63  }
0x13: {  	_ =	swait.ge [sflag:s10], $0x2780  }
0x14: {  	[sflag:s10] =	ssyncset.done $0x0  }
0x15: {  	s19 =	simm.s32 $0x40;
	s20 =	simm.s32 $0x0;
	[sflag:s10] =	ssyncadd.s32 $0xFFFFD880  }
.LBB2_2:
0x16: {  	p0 =	sne.s32 s19, $0x9C00;
	[tilespmem:s20+$0x4F00] =	vst v1;
	s20 =	smov.u32 s19;
	s19 =	sadd.s32 $0x40, s19  }
.Ltmp0:
0x17: {  	(pc) =	sbr.rel @p0 .LBB2_2-.Ltmp0, $2  }
0x18: {  	_ =	sdelay $0x2  }
0x19: {  	s20 =	sshra.s32 s20, $0x2  }
0x1a: {  	[tilespmem:s20+$0x4F00] =	vst v1;
	s19 =	simm.s32 $0x0;
	s20 =	simm.s32 $0x0  }
.LBB2_4:
0x1b: {  	s21 =	smul.u32 $0x4E2, s20;
	_ =	sdelay $0x1  }
0x1c: {  	s22 =	sadd.s32 s4, s21  }
0x1d: {  	[tilespmem:s12], [sflag:$0x1] =	stream.linear.gather [hbm4b:s22+s19], $0x2710, $0x38;
	[tilespmem:$0xED00] =	vst v63  }
0x1e: {  	_ =	swait.ge [sflag:s10], $0x2710  }
0x1f: {  	[sflag:s10] =	ssyncset.done $0x0  }
0x20: {  	s31 =	sadd.s32 s5, s21;
	[sflag:s10] =	ssyncadd.s32 $0xFFFFD8F0  }
0x21: {  	[tilespmem:s13], [sflag:$0x1] =	stream.linear.gather [hbm4b:s31+s19], $0x2710, $0x38;
	[tilespmem:$0xED00] =	vst v63  }
0x22: {  	_ =	swait.ge [sflag:s10], $0x2710  }
0x23: {  	[sflag:s10] =	ssyncset.done $0x0  }
0x24: {  	s21 =	sadd.s32 s6, s21;
	[sflag:s10] =	ssyncadd.s32 $0xFFFFD8F0  }
0x25: {  	[tilespmem:s14], [sflag:$0x1] =	stream.linear.gather [hbm4b:s21+s19], $0x2710, $0x38;
	[tilespmem:$0xED00] =	vst v63  }
0x26: {  	_ =	swait.ge [sflag:s10], $0x2710  }
0x27: {  	[sflag:s10] =	ssyncset.done $0x0  }
0x28: {  	s21 =	simm.s32 $0x0;
	[sflag:s10] =	ssyncadd.s32 $0xFFFFD8F0  }
.LBB2_5:
0x29: {  	s22 =	sshra.s32 s21, $0x2  }
0x2a: {  	v2 =	vld [tilespmem:s22+$0x9E00];
	_ =	sdelay $0x7  }
0x2b: {  	v3 =	vld.idx.msk [tilespmem:v2+s3+$0x0], $0xffff;
	_ =	sdelay $0x1  }
0x2c: {  	v4 =	vld [tilespmem:s22+$0x7680]  }
0x2d: {  	v5 =	vld [tilespmem:s22+$0xC580]  }
0x2e: {  	v2 =	vld.idx.msk [tilespmem:v2+s11+$0x0], $0xffff  }
0x2f: {  	vm0 =	veq.s32 v3, v0  }
0x30: {  	p0 =	sne.s32 s21, $0x9C00  }
.Ltmp1:
0x31: {  	_ = 	snop;
	(pc) =	sbr.rel @p0 .LBB2_5-.Ltmp1, $3  }
0x32: {  	_ = 	snop  }
0x33: {  	v2 =	vmul.f32 v2, v5;
	_ =	sdelay $0x1  }
0x34: {  	s21 =	sadd.s32 $0x40, s21;
	[tilespmem:v4+s15+$0x0] =	vst.idx.add.f32.msk vm0, v2  }
0x35: {  	s20 =	sadd.s32 $0x1, s20  }
0x36: {  	p0 =	sne.s32 s20, $0x20  }
.Ltmp2:
0x37: {  	_ = 	snop;
	(pc) =	sbr.rel @p0 .LBB2_4-.Ltmp2, $1  }
0x38: {  	_ =	sdelay $0x3  }
0x39: {  	s18 =	sadd.s32 $0x1, s18  }
0x3a: {  	p0 =	sne.s32 s18, s9  }
.Ltmp3:
0x3b: {  	_ = 	snop;
	(pc) =	sbr.rel @p0 .LBB2_1-.Ltmp3, $4  }
0x3c: {  	[hbm4b:s8+s16] =	stream.strided.scatter [tilespmem:s15], [sflag:$0x1], $0x2780, s17, s16, $0x38;
	[tilespmem:$0xED00] =	vst v63  }
0x3d: {  	_ =	swait.ge [sflag:s10], $0x2780  }
0x3e: {  	[sflag:s10] =	ssyncset.done $0x0  }
0x3f: {  	[sflag:s10] =	ssyncadd.s32 $0xFFFFD880  }
0x40: {  	_ =	sfence.sel $0x180000  }
0x41: {  	[bflag:$0x0] =	sbarrier.arrive $0xFFFF  }
0x42: {  	p0 =	sne.s32 s1, $0x0;
	_ =	strace $0x9000004A  }
0x43: {  	s0 =	sadd.s32 @!p0 $0x100000, s0;
	[bflag:$0x2] =	sbarrier.arrive $0xFFFF  }
0x44: {  	[sflag:s0] =	ssyncadd.tile.s32 @!p0 $0x1;
	_ =	shalt  }
.Lfunc_end2:
_tile_overlayer_lowered:
.L_overlay_start_2:
0x45: {  	(tag) =	ssettag $0x2  }
0x46: {  	s0 =	rddreg [dreg:$0x0];
	s2 =	stileid.u32  }
0x47: {  	s1 =	rddreg [dreg:$0x1];
	p0 =	sne.s32 s2, $0x0  }
0x48: {  	s3 =	rddreg [dreg:$0x2];
	[bflag:$0x3] =	sbarrier.arrive $0xFFFF;
	s2 =	simm.s32 @!p0 $0x1C01  }
0x49: {  	[timem:s3], [sflag:s2] =	dma.local @!p0 [hbm:s0], s1  }
0x4a: {  	s0 =	simm.s32 @!p0 $0x1  }
0x4b: {  	_ =	swait.ge @!p0 [sflag:s0], s1  }
0x4c: {  	s1 =	ssub.s32 @!p0 $0x0, s1;
	[sflag:s0] =	ssyncset.done @!p0 $0x0  }
0x4d: {  	[sflag:s0] =	ssyncadd.s32 @!p0 s1  }
0x4e: {  	[bflag:$0x3] =	sbarrier.arrive $0xFFFF  }
0x4f: {  	_ =	shalt  }

// kernel: kernel.8.cloned.1.call-start
scs
__scs_entry_jumppad:
0x0: {  	(pc) =	sbr.rel $0x88, $3  }
0x1: {  	(tag) =	ssettag $0x0;
	lr =	simm.s32 $0x1  }
0x2: {  	[smem:$0x3F85] =	sst lr;
	_ =	strace $0xD0000000  }
0x3: {  	_ = 	snop  }
0x4: {  	_ = 	snop  }
0x5: {  	_ = 	snop  }
0x6: {  	_ = 	snop  }
0x7: {  	_ = 	snop  }
__scs_overlays_trampoline_lowered:
0x8: {  	[smem:$0x3F94] =	sst s0  }
0x9: {  	[smem:$0x3F95] =	sst s1  }
0xa: {  	[smem:$0x3F96] =	sst s2  }
0xb: {  	[smem:$0x3F97] =	sst s3  }
0xc: {  	[smem:$0x3F98] =	sst s4  }
0xd: {  	[smem:$0x3F99] =	sst s5  }
0xe: {  	[smem:$0x3F9A] =	sst s6  }
0xf: {  	[smem:$0x3F9B] =	sst s7  }
0x10: {  	[smem:$0x3F9C] =	sst s8  }
0x11: {  	[smem:$0x3F9D] =	sst s9;
	s0 =	simm.s32 @!p0 $0x0  }
0x12: {  	s1 =	sld [smem:$0x3F83];
	s0 =	simm.s32 @p0 $0x1  }
0x13: {  	[smem:$0x3F9E] =	sst s0;
	s0 =	simm.s32 @!p1 $0x0  }
0x14: {  	s2 =	sld [smem:$0x3F82];
	s0 =	simm.s32 @p1 $0x1  }
0x15: {  	[smem:$0x3F9F] =	sst s0;
	s0 =	simm.s32 @!p2 $0x0  }
0x16: {  	s3 =	sld [smem:$0x3FDB];
	s0 =	simm.s32 @p2 $0x1  }
0x17: {  	s4 =	simm.s32 $0x1BF5;
	[smem:$0x3FA1] =	sst s0  }
0x18: {  	s0 =	sld [smem:$0x3F84];
	_ =	swait.ge [sflag:s4], $0x0  }
0x19: {  	s7 =	sld [smem:$0x3F85]  }
0x1a: {  	s8 =	sadd.s32 $0xFFFFE003, lr  }
0x1b: {  	s9 =	sadd.s32 $0xFFFFFEF7, lr;
	s5 =	simm.s32 $0xFFFFFFFF;
	p2 =	slt.u32 s8, $0xFFFFF086  }
0x1c: {  	p1 =	slt.u32 s9, $0xF7A;
	s5 =	simm.s32 @!p2 $0x0  }
0x1d: {  	s5 =	simm.s32 @p1 $0x1;
	p0 =	seq.s32 s7, s2  }
0x1e: {  	s7 =	smul.u32 @!p0 $0xF7A, s2;
	p2 =	seq.s32 @!p0 s5, $0x0  }
0x1f: {  	s9 =	smul.u32 $0xF7A, s1;
	s8 =	simm.s32 @!p0 $0x1BF5;
	p2 =	por !p2, p0  }
0x20: {  	[sflag:s8] =	ssyncset.s32 @!p0 $0xFFFFF086;
	s6 =	sadd.s32 @!p0 s3, s7;
	s7 =	simm.s32 @!p0 $0x108  }
0x21: {  	s3 =	sadd.s32 s3, s9;
	s6 =	sadd.s32 @!p0 $0x88, s6;
	s7 =	simm.s32 @p2 $0x1082  }
0x22: {  	[simem:s7], [sflag:s8] =	dma.local @!p0 [hbm:s6], $0xF7A  }
0x23: {  	s9 =	sor.u32 $0xD0000000, s2;
	s6 =	simm.s32 $0x108;
	_ =	swait.ge @!p0 [sflag:s8], $0x0  }
0x24: {  	s3 =	sadd.s32 $0x88, s3;
	s6 =	simm.s32 @!p1 $0x1082;
	[sflag:s4] =	ssyncset.s32 $0xFFFFF086  }
0x25: {  	[simem:s6], [sflag:s4] =	dma.local [hbm:s3], $0xF7A  }
0x26: {  	[smem:$0x3F85] =	sst s1;
	(tag) =	ssettag s2;
	_ =	strace s9  }
0x27: {  	s1 =	sld [smem:$0x3F95]  }
0x28: {  	s2 =	sld [smem:$0x3F96]  }
0x29: {  	s4 =	sld [smem:$0x3F98]  }
0x2a: {  	p0 =	seq.s32 s5, $0x0;
	s5 =	sld [smem:$0x3F99]  }
0x2b: {  	s6 =	sld [smem:$0x3F9A]  }
0x2c: {  	s7 =	sld [smem:$0x3F9B]  }
0x2d: {  	s3 =	simm.s32 $0x108;
	s8 =	sld [smem:$0x3F9C]  }
0x2e: {  	s3 =	simm.s32 @!p0 $0x1082;
	s9 =	sld [smem:$0x3F9D]  }
0x2f: {  	lr =	sadd.s32 s0, s3;
	s0 =	sld [smem:$0x3F94]  }
0x30: {  	s3 =	sld [smem:$0x3F97]  }
0x31: {  	[smem:$0x3FA0] =	sst s10  }
0x32: {  	s10 =	sld [smem:$0x3F9E];
	_ =	sdelay $0x3  }
0x33: {  	p0 =	seq.s32 s10, $0x1;
	s10 =	sld [smem:$0x3FA0];
	_ =	sdelay $0x3  }
0x34: {  	[smem:$0x3FA0] =	sst s10  }
0x35: {  	s10 =	sld [smem:$0x3F9F];
	_ =	sdelay $0x3  }
0x36: {  	p1 =	seq.s32 s10, $0x1;
	s10 =	sld [smem:$0x3FA0];
	_ =	sdelay $0x3  }
0x37: {  	[smem:$0x3FA0] =	sst s10  }
0x38: {  	s10 =	sld [smem:$0x3FA1]  }
0x39: {  	_ = 	snop;
	(pc) =	sbr.ind lr, $3  }
0x3a: {  	_ = 	snop  }
0x3b: {  	_ = 	snop  }
0x3c: {  	p2 =	seq.s32 s10, $0x1;
	s10 =	sld [smem:$0x3FA0]  }
0x3d: {  	_ =	shalt  }
0x3e: {  	_ =	shalt  }
0x3f: {  	_ =	shalt  }
0x40: {  	_ =	shalt  }
0x41: {  	_ =	shalt  }
0x42: {  	_ =	shalt  }
0x43: {  	_ =	shalt  }
0x44: {  	_ =	shalt  }
0x45: {  	_ =	shalt  }
0x46: {  	_ =	shalt  }
0x47: {  	_ =	shalt  }
0x48: {  	_ =	shalt  }
0x49: {  	_ =	shalt  }
0x4a: {  	_ =	shalt  }
0x4b: {  	_ =	shalt  }
0x4c: {  	_ =	shalt  }
0x4d: {  	_ =	shalt  }
0x4e: {  	_ =	shalt  }
0x4f: {  	_ =	shalt  }
0x50: {  	_ =	shalt  }
0x51: {  	_ =	shalt  }
0x52: {  	_ =	shalt  }
0x53: {  	_ =	shalt  }
0x54: {  	_ =	shalt  }
0x55: {  	_ =	shalt  }
0x56: {  	_ =	shalt  }
0x57: {  	_ =	shalt  }
0x58: {  	_ =	shalt  }
0x59: {  	_ =	shalt  }
0x5a: {  	_ =	shalt  }
0x5b: {  	_ =	shalt  }
0x5c: {  	_ =	shalt  }
0x5d: {  	_ =	shalt  }
0x5e: {  	_ =	shalt  }
0x5f: {  	_ =	shalt  }
0x60: {  	_ =	shalt  }
0x61: {  	_ =	shalt  }
0x62: {  	_ =	shalt  }
0x63: {  	_ =	shalt  }
0x64: {  	_ =	shalt  }
0x65: {  	_ =	shalt  }
0x66: {  	_ =	shalt  }
0x67: {  	_ =	shalt  }
0x68: {  	_ =	shalt  }
0x69: {  	_ =	shalt  }
0x6a: {  	_ =	shalt  }
0x6b: {  	_ =	shalt  }
0x6c: {  	_ =	shalt  }
0x6d: {  	_ =	shalt  }
0x6e: {  	_ =	shalt  }
0x6f: {  	_ =	shalt  }
0x70: {  	_ =	shalt  }
0x71: {  	_ =	shalt  }
0x72: {  	_ =	shalt  }
0x73: {  	_ =	shalt  }
0x74: {  	_ =	shalt  }
0x75: {  	_ =	shalt  }
0x76: {  	_ =	shalt  }
0x77: {  	_ =	shalt  }
0x78: {  	_ =	shalt  }
0x79: {  	_ =	shalt  }
0x7a: {  	_ =	shalt  }
0x7b: {  	_ =	shalt  }
0x7c: {  	_ =	shalt  }
0x7d: {  	_ =	shalt  }
0x7e: {  	_ =	shalt  }
0x7f: {  	_ =	shalt  }
0x80: {  	_ =	shalt  }
0x81: {  	_ =	shalt  }
0x82: {  	_ =	shalt  }
0x83: {  	_ =	shalt  }
0x84: {  	_ =	shalt  }
0x85: {  	_ =	shalt  }
0x86: {  	_ =	shalt  }
0x87: {  	_ =	shalt  }
.Lfunc_end0:
.L_simem_size_0:
called_computation_lowered:
.L_overlay_start_0:
0x88: {  	s2 =	sld [smem:$0x3FD9]  }
0x89: {  	s3 =	sld [smem:$0x3FFE];
	_ =	sdelay $0x1  }
0x8a: {  	s1 =	srdreg.scid  }
0x8b: {  	s0 =	sand.u32 $0x1, s1  }
0x8c: {  	s16 =	sshll.u32 s0, $0xA;
	s2 =	sadd.s32 s3, s2  }
0x8d: {  	s2 =	sadd.s32 s2, s16  }
0x8e: {  	[smem:$0x3FAC] =	sst s2  }
0x8f: {  	_ = 	snop  }
0x90: {  	(tm) =	ssettm $0x1  }
0x91: {  	s17 =	sld [smem:$0x3FFB];
	_ =	sdelay $0x3  }
0x92: {  	_ =	strace s17  }
0x93: {  	s2 =	sld [smem:$0x3FFC];
	_ =	sdelay $0x3  }
0x94: {  	_ =	strace s2  }
0x95: {  	s2 =	sld [smem:$0x3FFD];
	_ =	sdelay $0x3  }
0x96: {  	_ =	strace s2  }
0x97: {  	_ =	strace $0x8FFFFFFF  }
0x98: {  	s18 =	sld [smem:$0x3FDB];
	_ =	sdelay $0x1  }
0x99: {  	s19 =	simm.s32 $_scs_section_size  }
0x9a: {  	s4 =	simm.s32 $_size__tile_overlayer_lowered;
	s5 =	simm.s32 $_tile_overlayer_lowered  }
0x9b: {  	s22 =	simm.s32 $0x1BFF;
	s21 =	sshll.u32 s5, $0x1;
	s2 =	sadd.s32 s19, s18  }
0x9c: {  	s6 =	simm.s32 $0x0;
	s20 =	sshll.u32 s4, $0x1;
	s4 =	sadd.s32 s21, s2  }
0x9d: {  	[timem:s6], [sflag:s22] =	dma.local [hbm:s4], s20  }
0x9e: {  	_ =	swait.ge [sflag:s22], s20  }
0x9f: {  	s3 =	ssub.s32 $0x0, s20;
	[sflag:s22] =	ssyncset.done $0x0  }
0xa0: {  	[sflag:s22] =	ssyncadd.s32 s3;
	_ =	sdelay $0x1  }
0xa1: {  	s23 =	simm.s32 $0x1B8B  }
0xa2: {  	_ =	swait.ge [sflag:s23], $0x1  }
0xa3: {  	[sflag:s23] =	ssyncset.done $0x0  }
0xa4: {  	s25 =	simm.s32 $0x1B8E;
	s24 =	sld [smem:$0x3FFE];
	[sflag:s23] =	ssyncadd.s32 $0xFFFFFFFF  }
0xa5: {  	s26 =	simm.s32 $execute0_lowered;
	[smem:$0x3FD2] =	sst s25  }
0xa6: {  	s4 =	sshll.u32 s26, $0x1;
	_ =	strace $0x80000046;
	[dreg:$0x1] =	wrdreg $0xFFFFFFFF  }
0xa7: {  	s28 =	simm.s32 $_size_execute0_lowered;
	s2 =	sadd.s32 s2, s4;
	[dreg:$0x0] =	wrdreg $0x0  }
0xa8: {  	s4 =	sshll.u32 s28, $0x1;
	[dreg:$0x2] =	wrdreg s2  }
0xa9: {  	[dreg:$0x3] =	wrdreg s4  }
0xaa: {  	[dreg:$0x4] =	wrdreg $0xC0  }
0xab: {  	_ =	task [dreg:s6], $0x5FFFF  }
0xac: {  	[dreg:$0x1] =	wrdreg $0xFFFFFFFF  }
0xad: {  	[dreg:$0x0] =	wrdreg $0x60  }
0xae: {  	[dreg:$0x2] =	wrdreg s24  }
0xaf: {  	[dreg:$0x3] =	wrdreg $0x9  }
0xb0: {  	_ =	task.clear_ibuf [dreg:s6], $0x4FFFF;
	_ =	strace $0x90000046  }
0xb1: {  	s29 =	simm.s32 $0x9;
	_ =	strace $0x80000048  }
0xb2: {  	_ =	swait.ge [sflag:s29], $0x1  }
0xb3: {  	[sflag:s29] =	ssyncadd.s32 $0xFFFFFFFF  }
0xb4: {  	_ =	strace $0x90000048  }
0xb5: {  	_ =	sfence  }
0xb6: {  	s30 =	sld [smem:$0x0];
	_ =	sdelay $0x2  }
0xb7: {  	s31 =	sshll.u32 s1, $0xD;
	s1 =	sshrl.u32 s1, $0x2  }
0xb8: {  	s3 =	sand.u32 $0x4000, s31;
	s1 =	sadd.s32 s1, s30  }
0xb9: {  	s0 =	sor.u32 s3, s0;
	s1 =	sshll.u32 s1, $0x11  }
0xba: {  	s0 =	sor.u32 s1, s0  }
0xbb: {  	s0 =	sadd.s32 $0x8F2B, s0  }
0xbc: {  	[sflag:s0] =	ssyncadd.remote.s32 $0x1  }
0xbd: {  	_ =	sfence.sel $0xFFFF  }
0xbe: {  	[dreg:$0x0] =	wrdreg $0xFFFFFFFF;
	(pc) =	sbr.abs _section_cstart, $3  }
0xbf: {  	[dreg:$0x1] =	wrdreg $0xFFFFFFFF  }
0xc0: {  	_ =	task.clear_ibuf [dreg:s6], $0x2FFFF;
	_ =	strace $0x9FFFFFFF  }
0xc1: {  	(tm) =	ssettm $0x7FFFFFFF  }
tec
execute0_lowered:
.L_overlay_start_1:
0x0: {  	(tag) =	ssettag $0x1  }
0x1: {  	s5 =	rddreg [dreg:$0x0]  }
0x2: {  	s0 =	rddreg [dreg:$0x1]  }
0x3: {  	s3 =	srdreg.scid;
	s1 =	stileid.u32  }
0x4: {  	s2 =	simm.s32 $0x0;
	s12 =	simm.s32 $0x2780;
	s13 =	simm.s32 $0x7680  }
0x5: {  	s14 =	simm.s32 $0x9E00;
	s15 =	simm.s32 $0xC580;
	s16 =	simm.s32 $0x4F00  }
0x6: {  	s17 =	simm.s32 $0xED00;
	s18 =	simm.s32 $0x80;
	s19 =	simm.s32 $0x400  }
0x7: {  	s20 =	simm.s32 $0x0;
	s6 =	sand.u32 $0x1, s3;
	s28 =	sshll.u32 s1, $0x1  }
0x8: {  	[smem:$0x7FF] =	sst s2;
	s29 =	sshrl.u32 s1, $0x2;
	s3 =	sadd.s32 $0x3000, s5  }
0x9: {  	s4 =	sor.u32 s6, s28;
	_ =	strace $0x80000047;
	s7 =	smul.u32 $0x13C00, s29  }
0xa: {  	s6 =	ssub.s32 $0x2, s6;
	s8 =	sshll.u32 s4, $0x7;
	s9 =	smul.u32 $0x4E2, s4  }
0xb: {  	s4 =	sadd.s32 $0x3600, s5;
	s31 =	sshrl.u32 s6, $0x1;
	s8 =	sand.u32 $0x380, s8  }
0xc: {  	s11 =	ssub.s32 s6, s31;
	s7 =	sor.u32 s7, s8;
	s30 =	sadd.s32 s9, s5  }
0xd: {  	s7 =	sshrl.u32 s7, $0x3;
	s6 =	sadd.s32 $0x4000, s30;
	s8 =	sadd.s32 $0x2B800, s30  }
0xe: {  	s10 =	sadd.s32 s7, s5;
	s5 =	sadd.s32 $0xDE00, s30;
	s7 =	sadd.s32 $0x17C00, s30  }
0xf: {  	v0 =	vimm.f32 $0.0e+00;
	s9 =	sadd.s32 $0x21A00, s10;
	s10 =	smax.u32 s11, $0x1;
	s11 =	simm.s32 $0x1  }
.LBB2_1:
0x10: {  	[tilespmem:s2], [sflag:$0x1] =	stream.linear.gather [hbm4b:s3+s2], $0x2780, $0x38;
	[tilespmem:$0x11480] =	vst v63  }
0x11: {  	_ =	swait.ge [sflag:s11], $0x2780  }
0x12: {  	[sflag:s11] =	ssyncset.done $0x0  }
0x13: {  	[sflag:s11] =	ssyncadd.s32 $0xFFFFD880  }
0x14: {  	[tilespmem:s12], [sflag:$0x1] =	stream.linear.gather [hbm4b:s4+s2], $0x2780, $0x38;
	[tilespmem:$0x11480] =	vst v63  }
0x15: {  	_ =	swait.ge [sflag:s11], $0x2780  }
0x16: {  	[sflag:s11] =	ssyncset.done $0x0  }
0x17: {  	s21 =	simm.s32 $0x40;
	s22 =	simm.s32 $0x0;
	[sflag:s11] =	ssyncadd.s32 $0xFFFFD880  }
.LBB2_2:
0x18: {  	p0 =	sne.s32 s21, $0x9C00;
	[tilespmem:s22+$0x4F00] =	vst v0;
	s22 =	smov.u32 s21;
	s21 =	sadd.s32 $0x40, s21  }
.Ltmp0:
0x19: {  	(pc) =	sbr.rel @p0 .LBB2_2-.Ltmp0, $2  }
0x1a: {  	_ =	sdelay $0x2  }
0x1b: {  	s22 =	sshra.s32 s22, $0x2  }
0x1c: {  	[tilespmem:s22+$0x4F00] =	vst v0;
	s21 =	simm.s32 $0x0  }
0x1d: {  	[tilespmem:s13], [sflag:$0x1] =	stream.linear.gather [hbm4b:s5+s21], $0x2710, $0x38;
	[tilespmem:$0x11480] =	vst v63  }
0x1e: {  	_ =	swait.ge [sflag:s11], $0x2710  }
0x1f: {  	[sflag:s11] =	ssyncset.done $0x0  }
0x20: {  	[sflag:s11] =	ssyncadd.s32 $0xFFFFD8F0  }
0x21: {  	[tilespmem:s14], [sflag:$0x1] =	stream.linear.gather [hbm4b:s6+s21], $0x2710, $0x38;
	[tilespmem:$0x11480] =	vst v63  }
0x22: {  	_ =	swait.ge [sflag:s11], $0x2710  }
0x23: {  	[sflag:s11] =	ssyncset.done $0x0  }
0x24: {  	[sflag:s11] =	ssyncadd.s32 $0xFFFFD8F0  }
0x25: {  	[tilespmem:s15], [sflag:$0x1] =	stream.linear.gather [hbm4b:s7+s21], $0x2710, $0x38;
	[tilespmem:$0x11480] =	vst v63  }
0x26: {  	_ =	swait.ge [sflag:s11], $0x2710  }
0x27: {  	[sflag:s11] =	ssyncset.done $0x0  }
0x28: {  	s21 =	simm.s32 $0x0;
	[sflag:s11] =	ssyncadd.s32 $0xFFFFD8F0  }
0x29: {  	s22 =	simm.s32 $0x40;
	v1 =	vld [tilespmem:s21+$0x7680]  }
.LBB2_4:
0x2a: {  	p0 =	sne.s32 s22, $0x9C00;
	v2 =	vld [tilespmem:s21+$0x9E00];
	_ =	sdelay $0x6  }
0x2b: {  	v1 =	vld.idx.msk [tilespmem:v1+s2+$0x0], $0xffff  }
0x2c: {  	v3 =	vld.idx.msk [tilespmem:v2+s12+$0x0], $0xffff;
	_ =	sdelay $0x2  }
0x2d: {  	v4 =	vld [tilespmem:s21+$0xC580];
	_ =	sdelay $0x2  }
0x2e: {  	v1 =	vadd.f32 v3, v1;
	_ =	sdelay $0x1  }
0x2f: {  	v1 =	vadd.f32 v1, v4;
	_ =	sdelay $0x1  }
0x30: {  	v3 =	vmul.f32 $2.000000030e-01, v1;
	_ =	sdelay $0x1  }
0x31: {  	v1 =	vmax.f32 v1, v3  }
0x32: {  	v1 =	vmul.f32 $1.442695020e+00, v1;
	_ =	sdelay $0x1  }
0x33: {  	(erf) = vpow2.f32 v1;
	_ =	sdelay $0x6  }
.Ltmp1:
0x34: {  	(pc) =	sbr.rel @p0 .LBB2_4-.Ltmp1, $4  }
0x35: {  	_ = 	snop  }
0x36: {  	v3 =	vpop (erf)  }
0x37: {  	s23 =	sshra.s32 s22, $0x2;
	[tilespmem:v2+s16+$0x0] =	vst.idx.add.f32.msk $0xffff, v3  }
0x38: {  	s22 =	sadd.s32 $0x40, s22;
	v1 =	vld [tilespmem:s23+$0x7680];
	[tilespmem:s21+$0xED00] =	vst v3;
	s21 =	smov.u32 s23  }
0x39: {  	_ = 	snop  }
0x3a: {  	v2 =	vld [tilespmem:s21+$0x9E00];
	_ =	sdelay $0x6  }
0x3b: {  	v1 =	vld.idx.msk [tilespmem:v1+s2+$0x0], $0xffff  }
0x3c: {  	v3 =	vld.idx.msk [tilespmem:v2+s12+$0x0], $0xffff;
	_ =	sdelay $0x1  }
0x3d: {  	v4 =	vld [tilespmem:s21+$0xC580];
	_ =	sdelay $0x2  }
0x3e: {  	v1 =	vadd.f32 v3, v1;
	_ =	sdelay $0x1  }
0x3f: {  	v1 =	vadd.f32 v1, v4;
	_ =	sdelay $0x1  }
0x40: {  	v3 =	vmul.f32 $2.000000030e-01, v1;
	_ =	sdelay $0x1  }
0x41: {  	v1 =	vmax.f32 v1, v3  }
0x42: {  	v1 =	vmul.f32 $1.442695020e+00, v1;
	_ =	sdelay $0x1  }
0x43: {  	(erf) = vpow2.f32 v1;
	_ =	sdelay $0x8  }
0x44: {  	v1 =	vpop (erf)  }
0x45: {  	[tilespmem:v2+s16+$0x0] =	vst.idx.add.f32.msk $0xffff, v1  }
0x46: {  	[tilespmem:s21+$0xED00] =	vst v1  }
0x47: {  	[hbm4b:s8+s2] =	stream.linear.scatter [tilespmem:s17], [sflag:$0x1], $0x2710, $0x38;
	[tilespmem:$0x11480] =	vst v63  }
0x48: {  	s20 =	sadd.s32 $0x1, s20;
	_ =	swait.ge [sflag:s11], $0x2710  }
0x49: {  	p0 =	sne.s32 s20, s10;
	[sflag:s11] =	ssyncset.done $0x0  }
.Ltmp2:
0x4a: {  	[sflag:s11] =	ssyncadd.s32 $0xFFFFD8F0;
	(pc) =	sbr.rel @p0 .LBB2_1-.Ltmp2, $4  }
0x4b: {  	[hbm4b:s9+s18] =	stream.strided.scatter [tilespmem:s16], [sflag:$0x1], $0x2780, s19, s18, $0x38;
	[tilespmem:$0x11480] =	vst v63  }
0x4c: {  	_ =	swait.ge [sflag:s11], $0x2780  }
0x4d: {  	[sflag:s11] =	ssyncset.done $0x0  }
0x4e: {  	[sflag:s11] =	ssyncadd.s32 $0xFFFFD880  }
0x4f: {  	_ =	sfence.sel $0x180000  }
0x50: {  	[bflag:$0x0] =	sbarrier.arrive $0xFFFF  }
0x51: {  	p0 =	sne.s32 s1, $0x0;
	_ =	strace $0x90000047  }
0x52: {  	s0 =	sadd.s32 @!p0 $0x100000, s0;
	[bflag:$0x2] =	sbarrier.arrive $0xFFFF  }
0x53: {  	[sflag:s0] =	ssyncadd.tile.s32 @!p0 $0x1;
	_ =	shalt  }
.Lfunc_end2:
_tile_overlayer_lowered:
.L_overlay_start_2:
0x54: {  	(tag) =	ssettag $0x2  }
0x55: {  	s0 =	rddreg [dreg:$0x0];
	s2 =	stileid.u32  }
0x56: {  	s1 =	rddreg [dreg:$0x1];
	p0 =	sne.s32 s2, $0x0  }
0x57: {  	s3 =	rddreg [dreg:$0x2];
	[bflag:$0x3] =	sbarrier.arrive $0xFFFF;
	s2 =	simm.s32 @!p0 $0x1C01  }
0x58: {  	[timem:s3], [sflag:s2] =	dma.local @!p0 [hbm:s0], s1  }
0x59: {  	s0 =	simm.s32 @!p0 $0x1  }
0x5a: {  	_ =	swait.ge @!p0 [sflag:s0], s1  }
0x5b: {  	s1 =	ssub.s32 @!p0 $0x0, s1;
	[sflag:s0] =	ssyncset.done @!p0 $0x0  }
0x5c: {  	[sflag:s0] =	ssyncadd.s32 @!p0 s1  }
0x5d: {  	[bflag:$0x3] =	sbarrier.arrive $0xFFFF  }
0x5e: {  	_ =	shalt  }

</sc_bundles>
